<compile_context>
chip_gen: v7x
topology: tpu7x:2x2x1
jax: 0.10.2.dev20260603
libtpu: 0.0.44.dev20260713+nightly
codegen_flags: <defaults>
</compile_context>

<pallas_src>
import functools

import jax
import jax.numpy as jnp
from jax import lax
from jax.experimental import pallas as pl
from jax.experimental.pallas import tpu as pltpu
from jax.experimental.pallas import tpu_sc as plsc

_NUM_BLOCKS = 64
_N = 32768
_BT = 4096
_NW = 32
_CHUNK = _N // _NW


def _gate_body(x_ref, w_ref, b_ref, o_ref):
    logits = lax.dot_general(
        x_ref[...], w_ref[...],
        (((1,), (1,)), ((), ())),
        preferred_element_type=jnp.float32,
    ) + b_ref[...]
    m1 = jnp.max(logits, axis=1, keepdims=True)
    c1 = logits == m1
    c1f = c1.astype(jnp.float32)
    masked = jnp.where(c1, -jnp.inf, logits)
    m2 = jnp.max(masked, axis=1, keepdims=True)
    c2 = masked == m2
    fe = lax.broadcasted_iota(jnp.int32, (_NUM_BLOCKS, _NUM_BLOCKS), 0)
    ee = lax.broadcasted_iota(jnp.int32, (_NUM_BLOCKS, _NUM_BLOCKS), 1)
    tri = (fe <= ee).astype(jnp.float32)
    a = c1f + c2.astype(jnp.float32) * (1.0 / 64.0)
    p = lax.dot_general(a, tri, (((1,), (0,)), ((), ())),
                        preferred_element_type=jnp.float32)
    p2 = jnp.floor(p)
    p1 = (p - p2) * 64.0
    n1 = jnp.sum(c1f, axis=1, keepdims=True)
    first1 = c1 & (p2 == 1.0)
    second = (c1 & (p2 == 2.0)) | (c2 & (n1 == 1.0) & (p1 == 1.0))
    idsf = lax.broadcasted_iota(jnp.int32, logits.shape, 1).astype(jnp.float32)
    pkf = jnp.sum(jnp.where(first1, idsf * 64.0, 0.0)
                  + jnp.where(second, idsf, 0.0), axis=1)
    o_ref[...] = pkf.astype(jnp.int32).reshape(1, 1, _BT)


def _tc_pack(x, W, b):
    n = x.shape[0]
    return pl.pallas_call(
        _gate_body,
        grid=(n // _BT,),
        in_specs=[
            pl.BlockSpec((_BT, x.shape[1]), lambda i: (i, 0)),
            pl.BlockSpec((_NUM_BLOCKS, x.shape[1]), lambda i: (0, 0)),
            pl.BlockSpec((1, _NUM_BLOCKS), lambda i: (0, 0)),
        ],
        out_specs=pl.BlockSpec((1, 1, _BT), lambda i: (i, 0, 0)),
        out_shape=jax.ShapeDtypeStruct((n // _BT, 1, _BT), jnp.int32),
    )(x, W, b[None, :])


def _sc_expand_body(pk_hbm, out_hbm, pk_v, mask_v):
    wid = lax.axis_index("s") * 2 + lax.axis_index("c")
    base = wid * _CHUNK
    pltpu.sync_copy(pk_hbm.at[pl.ds(base, _CHUNK)], pk_v)
    zeros16 = jnp.zeros((16,), jnp.float32)
    ones16 = jnp.full((16,), 1.0, jnp.float32)
    iota16 = lax.broadcasted_iota(jnp.int32, (16,), 0)

    def zbody(i, carry):
        for u in range(16):
            mask_v[pl.ds(i * 256 + u * 16, 16)] = zeros16
        return carry

    lax.fori_loop(0, _CHUNK * _NUM_BLOCKS // 256, zbody, 0)

    for j in range(_CHUNK // 16):
        pk = pk_v[pl.ds(j * 16, 16)]
        tok = j * 16 + iota16
        i1 = lax.shift_right_logical(pk, 6)
        i2 = lax.bitwise_and(pk, 63)
        flat = tok * _NUM_BLOCKS
        plsc.store_scatter(mask_v, [flat + i1], ones16)
        plsc.store_scatter(mask_v, [flat + i2], ones16)
    pltpu.sync_copy(mask_v, out_hbm.at[pl.ds(base * _NUM_BLOCKS,
                                             _CHUNK * _NUM_BLOCKS)])


@functools.lru_cache(maxsize=1)
def _sc_expand():
    return pl.kernel(
        _sc_expand_body,
        out_type=jax.ShapeDtypeStruct((_N * _NUM_BLOCKS,), jnp.float32),
        mesh=plsc.VectorSubcoreMesh(core_axis_name="c", subcore_axis_name="s"),
        scratch_types=[
            pltpu.VMEM((_CHUNK,), jnp.int32),
            pltpu.VMEM((_CHUNK * _NUM_BLOCKS,), jnp.float32),
        ],
        compiler_params=pltpu.CompilerParams(needs_layout_passes=False),
    )


def kernel(x, W, b):
    pk = _tc_pack(x, W, b).reshape(_N)
    return _sc_expand()(pk).reshape(_N, _NUM_BLOCKS)

# --- scband reference (transcript-rebuilt; emitter-appended) ---
"""Pipeline reference for scband-gating-network-33689723470016 (READ-ONLY COPY).

The authoritative reference and input builder live on the scoring server;
editing this copy changes nothing except your own understanding.
"""

import jax, jax.numpy as jnp
import numpy as np

INPUT_SIZE = 768
NUM_BLOCKS = 64
TOP_K = 2
N_TOKENS = 32768

def setup_inputs(seed: int = 0) -> dict:
    key = jax.random.key(seed)
    kx, kw, kb = jax.random.split(key, 3)
    x = jax.random.normal(kx, (N_TOKENS, INPUT_SIZE), dtype=jnp.float32)
    # nn.Linear default init: U(-1/sqrt(fan_in), 1/sqrt(fan_in))
    bound = 1.0 / np.sqrt(INPUT_SIZE)
    W = jax.random.uniform(kw, (NUM_BLOCKS, INPUT_SIZE), dtype=jnp.float32, minval=-bound, maxval=bound)
    b = jax.random.uniform(kb, (NUM_BLOCKS,), dtype=jnp.float32, minval=-bound, maxval=bound)
    return {"x": x, "W": W, "b": b}

def reference(x, W, b):
    logits = x @ W.T + b  # [N, num_blocks]
    _, topk_idx = jax.lax.top_k(logits, TOP_K)  # [N, top_k]
    mask = jnp.zeros_like(logits)
    rows = jnp.arange(logits.shape[0])[:, None]
    mask = mask.at[rows, topk_idx].set(1.0)
    return mask

if __name__ == "__main__":
    import jax
    _d = setup_inputs()
    print(jax.jit(kernel)(*tuple(_d.values())))

</pallas_src>

<mosaic_0001>
#map = affine_map<(d0, d1) -> (0)>
module attributes {stable_mosaic.version = 14 : i64} {
  func.func @_sc_expand_body(%arg0: i32, %arg1: i32, %arg2: memref<32768xi32, #tpu.memory_space<hbm>>, %arg3: memref<2097152xf32, #tpu.memory_space<hbm>>, %arg4: memref<1024xi32, #tpu.memory_space<vmem>>, %arg5: memref<65536xf32, #tpu.memory_space<vmem>>) attributes {dimension_semantics = [#tpu.dimension_semantics<core_parallel>, #tpu.dimension_semantics<subcore_parallel>], iteration_bounds = array<i64: 2, 16>, scalar_prefetch = 0 : i64, scratch_operands = 2 : i64, tpu.core_type = #tpu.core_type<sc_vector_subcore>, window_params = [{transform_indices = #map}, {transform_indices = #map}]} {
    %mul3A = arith.constant 2 : i32
    %mul3A_0 = arith.muli %arg1, %mul3A : i32
    %add3A = arith.addi %mul3A_0, %arg0 : i32
    %mul3A_1 = arith.constant 1024 : i32
    %mul3A_2 = arith.muli %add3A, %mul3A_1 : i32
    "tpu.region"() ({
      %run_scoped3A = tpu.sem_alloc : memref<!tpu.dma_semaphore, #tpu.memory_space<semaphore_mem>>
      %dma_start3A = tpu.memref_slice %arg2[%mul3A_2] : memref<32768xi32, #tpu.memory_space<hbm>> -> memref<1024xi32, #tpu.memory_space<hbm>>
      %dma_start3A_1034 = tpu.memref_slice %arg2[%mul3A_2] : memref<32768xi32, #tpu.memory_space<hbm>> -> memref<1024xi32, #tpu.memory_space<hbm>>
      tpu.enqueue_dma source(%dma_start3A_1034 : memref<1024xi32, #tpu.memory_space<hbm>>) target(%arg4 : memref<1024xi32, #tpu.memory_space<vmem>>) target_semaphore(%run_scoped3A : memref<!tpu.dma_semaphore, #tpu.memory_space<semaphore_mem>>)
      %dma_wait3A = tpu.memref_slice %arg2[%mul3A_2] : memref<32768xi32, #tpu.memory_space<hbm>> -> memref<1024xi32, #tpu.memory_space<hbm>>
      %dma_wait3A_1035 = tpu.memref_slice %arg2[%mul3A_2] : memref<32768xi32, #tpu.memory_space<hbm>> -> memref<1024xi32, #tpu.memory_space<hbm>>
      tpu.wait_dma2 semaphore(%run_scoped3A : memref<!tpu.dma_semaphore, #tpu.memory_space<semaphore_mem>>) src(%dma_wait3A_1035 : memref<1024xi32, #tpu.memory_space<hbm>>) dst(%arg4 : memref<1024xi32, #tpu.memory_space<vmem>>)
      tpu.yield
    }) : () -> ()
    %broadcast_in_dim3A = arith.constant 0.000000e+00 : f32
    %broadcast_in_dim3A_3 = vector.broadcast %broadcast_in_dim3A : f32 to vector<16xf32>
    %broadcast_in_dim3A_4 = arith.constant 1.000000e+00 : f32
    %broadcast_in_dim3A_5 = vector.broadcast %broadcast_in_dim3A_4 : f32 to vector<16xf32>
    %iota3A = tpu.iota {dimensions = array<i32: 0>} : vector<16xi32>
    %scan3A = arith.constant 0 : i32
    %scan3A_6 = arith.constant 0 : i32
    %scan3A_7 = arith.constant 256 : i32
    %scan3A_8 = arith.addi %scan3A_6, %scan3A_7 : i32
    %scan3A_9 = arith.constant 1 : i32
    scf.for %scan3A_1034 = %scan3A_6 to %scan3A_8 step %scan3A_9  : i32 {
      %mul3A_1035 = arith.constant 256 : i32
      %mul3A_1036 = arith.muli %scan3A_1034, %mul3A_1035 : i32
      %add3A_1037 = arith.constant 0 : i32
      %add3A_1038 = arith.addi %mul3A_1036, %add3A_1037 : i32
      %swap3A = arith.index_cast %add3A_1038 : i32 to index
      %swap3A_1039 = tpu.vector_load %arg5[%swap3A] {strides = array<i32>} : memref<65536xf32, #tpu.memory_space<vmem>>, vector<16xf32>,
      tpu.vector_store %arg5[%swap3A], %broadcast_in_dim3A_3 {strides = array<i32>} : memref<65536xf32, #tpu.memory_space<vmem>>, vector<16xf32>,
      %mul3A_1040 = arith.constant 256 : i32
      %mul3A_1041 = arith.muli %scan3A_1034, %mul3A_1040 : i32
      %add3A_1042 = arith.constant 16 : i32
      %add3A_1043 = arith.addi %mul3A_1041, %add3A_1042 : i32
      %swap3A_1044 = arith.index_cast %add3A_1043 : i32 to index
      %swap3A_1045 = tpu.vector_load %arg5[%swap3A_1044] {strides = array<i32>} : memref<65536xf32, #tpu.memory_space<vmem>>, vector<16xf32>,
      tpu.vector_store %arg5[%swap3A_1044], %broadcast_in_dim3A_3 {strides = array<i32>} : memref<65536xf32, #tpu.memory_space<vmem>>, vector<16xf32>,
      %mul3A_1046 = arith.constant 256 : i32
      %mul3A_1047 = arith.muli %scan3A_1034, %mul3A_1046 : i32
      %add3A_1048 = arith.constant 32 : i32
      %add3A_1049 = arith.addi %mul3A_1047, %add3A_1048 : i32
      %swap3A_1050 = arith.index_cast %add3A_1049 : i32 to index
      %swap3A_1051 = tpu.vector_load %arg5[%swap3A_1050] {strides = array<i32>} : memref<65536xf32, #tpu.memory_space<vmem>>, vector<16xf32>,
      tpu.vector_store %arg5[%swap3A_1050], %broadcast_in_dim3A_3 {strides = array<i32>} : memref<65536xf32, #tpu.memory_space<vmem>>, vector<16xf32>,
      %mul3A_1052 = arith.constant 256 : i32
      %mul3A_1053 = arith.muli %scan3A_1034, %mul3A_1052 : i32
      %add3A_1054 = arith.constant 48 : i32
      %add3A_1055 = arith.addi %mul3A_1053, %add3A_1054 : i32
      %swap3A_1056 = arith.index_cast %add3A_1055 : i32 to index
      %swap3A_1057 = tpu.vector_load %arg5[%swap3A_1056] {strides = array<i32>} : memref<65536xf32, #tpu.memory_space<vmem>>, vector<16xf32>,
      tpu.vector_store %arg5[%swap3A_1056], %broadcast_in_dim3A_3 {strides = array<i32>} : memref<65536xf32, #tpu.memory_space<vmem>>, vector<16xf32>,
      %mul3A_1058 = arith.constant 256 : i32
      %mul3A_1059 = arith.muli %scan3A_1034, %mul3A_1058 : i32
      %add3A_1060 = arith.constant 64 : i32
      %add3A_1061 = arith.addi %mul3A_1059, %add3A_1060 : i32
      %swap3A_1062 = arith.index_cast %add3A_1061 : i32 to index
      %swap3A_1063 = tpu.vector_load %arg5[%swap3A_1062] {strides = array<i32>} : memref<65536xf32, #tpu.memory_space<vmem>>, vector<16xf32>,
      tpu.vector_store %arg5[%swap3A_1062], %broadcast_in_dim3A_3 {strides = array<i32>} : memref<65536xf32, #tpu.memory_space<vmem>>, vector<16xf32>,
      %mul3A_1064 = arith.constant 256 : i32
      %mul3A_1065 = arith.muli %scan3A_1034, %mul3A_1064 : i32
      %add3A_1066 = arith.constant 80 : i32
      %add3A_1067 = arith.addi %mul3A_1065, %add3A_1066 : i32
      %swap3A_1068 = arith.index_cast %add3A_1067 : i32 to index
      %swap3A_1069 = tpu.vector_load %arg5[%swap3A_1068] {strides = array<i32>} : memref<65536xf32, #tpu.memory_space<vmem>>, vector<16xf32>,
      tpu.vector_store %arg5[%swap3A_1068], %broadcast_in_dim3A_3 {strides = array<i32>} : memref<65536xf32, #tpu.memory_space<vmem>>, vector<16xf32>,
      %mul3A_1070 = arith.constant 256 : i32
      %mul3A_1071 = arith.muli %scan3A_1034, %mul3A_1070 : i32
      %add3A_1072 = arith.constant 96 : i32
      %add3A_1073 = arith.addi %mul3A_1071, %add3A_1072 : i32
      %swap3A_1074 = arith.index_cast %add3A_1073 : i32 to index
      %swap3A_1075 = tpu.vector_load %arg5[%swap3A_1074] {strides = array<i32>} : memref<65536xf32, #tpu.memory_space<vmem>>, vector<16xf32>,
      tpu.vector_store %arg5[%swap3A_1074], %broadcast_in_dim3A_3 {strides = array<i32>} : memref<65536xf32, #tpu.memory_space<vmem>>, vector<16xf32>,
      %mul3A_1076 = arith.constant 256 : i32
      %mul3A_1077 = arith.muli %scan3A_1034, %mul3A_1076 : i32
      %add3A_1078 = arith.constant 112 : i32
      %add3A_1079 = arith.addi %mul3A_1077, %add3A_1078 : i32
      %swap3A_1080 = arith.index_cast %add3A_1079 : i32 to index
      %swap3A_1081 = tpu.vector_load %arg5[%swap3A_1080] {strides = array<i32>} : memref<65536xf32, #tpu.memory_space<vmem>>, vector<16xf32>,
      tpu.vector_store %arg5[%swap3A_1080], %broadcast_in_dim3A_3 {strides = array<i32>} : memref<65536xf32, #tpu.memory_space<vmem>>, vector<16xf32>,
      %mul3A_1082 = arith.constant 256 : i32
      %mul3A_1083 = arith.muli %scan3A_1034, %mul3A_1082 : i32
      %add3A_1084 = arith.constant 128 : i32
      %add3A_1085 = arith.addi %mul3A_1083, %add3A_1084 : i32
      %swap3A_1086 = arith.index_cast %add3A_1085 : i32 to index
      %swap3A_1087 = tpu.vector_load %arg5[%swap3A_1086] {strides = array<i32>} : memref<65536xf32, #tpu.memory_space<vmem>>, vector<16xf32>,
      tpu.vector_store %arg5[%swap3A_1086], %broadcast_in_dim3A_3 {strides = array<i32>} : memref<65536xf32, #tpu.memory_space<vmem>>, vector<16xf32>,
      %mul3A_1088 = arith.constant 256 : i32
      %mul3A_1089 = arith.muli %scan3A_1034, %mul3A_1088 : i32
      %add3A_1090 = arith.constant 144 : i32
      %add3A_1091 = arith.addi %mul3A_1089, %add3A_1090 : i32
      %swap3A_1092 = arith.index_cast %add3A_1091 : i32 to index
      %swap3A_1093 = tpu.vector_load %arg5[%swap3A_1092] {strides = array<i32>} : memref<65536xf32, #tpu.memory_space<vmem>>, vector<16xf32>,
      tpu.vector_store %arg5[%swap3A_1092], %broadcast_in_dim3A_3 {strides = array<i32>} : memref<65536xf32, #tpu.memory_space<vmem>>, vector<16xf32>,
      %mul3A_1094 = arith.constant 256 : i32
      %mul3A_1095 = arith.muli %scan3A_1034, %mul3A_1094 : i32
      %add3A_1096 = arith.constant 160 : i32
      %add3A_1097 = arith.addi %mul3A_1095, %add3A_1096 : i32
      %swap3A_1098 = arith.index_cast %add3A_1097 : i32 to index
      %swap3A_1099 = tpu.vector_load %arg5[%swap3A_1098] {strides = array<i32>} : memref<65536xf32, #tpu.memory_space<vmem>>, vector<16xf32>,
      tpu.vector_store %arg5[%swap3A_1098], %broadcast_in_dim3A_3 {strides = array<i32>} : memref<65536xf32, #tpu.memory_space<vmem>>, vector<16xf32>,
      %mul3A_1100 = arith.constant 256 : i32
      %mul3A_1101 = arith.muli %scan3A_1034, %mul3A_1100 : i32
      %add3A_1102 = arith.constant 176 : i32
      %add3A_1103 = arith.addi %mul3A_1101, %add3A_1102 : i32
      %swap3A_1104 = arith.index_cast %add3A_1103 : i32 to index
      %swap3A_1105 = tpu.vector_load %arg5[%swap3A_1104] {strides = array<i32>} : memref<65536xf32, #tpu.memory_space<vmem>>, vector<16xf32>,
      tpu.vector_store %arg5[%swap3A_1104], %broadcast_in_dim3A_3 {strides = array<i32>} : memref<65536xf32, #tpu.memory_space<vmem>>, vector<16xf32>,
      %mul3A_1106 = arith.constant 256 : i32
      %mul3A_1107 = arith.muli %scan3A_1034, %mul3A_1106 : i32
      %add3A_1108 = arith.constant 192 : i32
      %add3A_1109 = arith.addi %mul3A_1107, %add3A_1108 : i32
      %swap3A_1110 = arith.index_cast %add3A_1109 : i32 to index
      %swap3A_1111 = tpu.vector_load %arg5[%swap3A_1110] {strides = array<i32>} : memref<65536xf32, #tpu.memory_space<vmem>>, vector<16xf32>,
      tpu.vector_store %arg5[%swap3A_1110], %broadcast_in_dim3A_3 {strides = array<i32>} : memref<65536xf32, #tpu.memory_space<vmem>>, vector<16xf32>,
      %mul3A_1112 = arith.constant 256 : i32
      %mul3A_1113 = arith.muli %scan3A_1034, %mul3A_1112 : i32
      %add3A_1114 = arith.constant 208 : i32
      %add3A_1115 = arith.addi %mul3A_1113, %add3A_1114 : i32
      %swap3A_1116 = arith.index_cast %add3A_1115 : i32 to index
      %swap3A_1117 = tpu.vector_load %arg5[%swap3A_1116] {strides = array<i32>} : memref<65536xf32, #tpu.memory_space<vmem>>, vector<16xf32>,
      tpu.vector_store %arg5[%swap3A_1116], %broadcast_in_dim3A_3 {strides = array<i32>} : memref<65536xf32, #tpu.memory_space<vmem>>, vector<16xf32>,
      %mul3A_1118 = arith.constant 256 : i32
      %mul3A_1119 = arith.muli %scan3A_1034, %mul3A_1118 : i32
      %add3A_1120 = arith.constant 224 : i32
      %add3A_1121 = arith.addi %mul3A_1119, %add3A_1120 : i32
      %swap3A_1122 = arith.index_cast %add3A_1121 : i32 to index
      %swap3A_1123 = tpu.vector_load %arg5[%swap3A_1122] {strides = array<i32>} : memref<65536xf32, #tpu.memory_space<vmem>>, vector<16xf32>,
      tpu.vector_store %arg5[%swap3A_1122], %broadcast_in_dim3A_3 {strides = array<i32>} : memref<65536xf32, #tpu.memory_space<vmem>>, vector<16xf32>,
      %mul3A_1124 = arith.constant 256 : i32
      %mul3A_1125 = arith.muli %scan3A_1034, %mul3A_1124 : i32
      %add3A_1126 = arith.constant 240 : i32
      %add3A_1127 = arith.addi %mul3A_1125, %add3A_1126 : i32
      %swap3A_1128 = arith.index_cast %add3A_1127 : i32 to index
      %swap3A_1129 = tpu.vector_load %arg5[%swap3A_1128] {strides = array<i32>} : memref<65536xf32, #tpu.memory_space<vmem>>, vector<16xf32>,
      tpu.vector_store %arg5[%swap3A_1128], %broadcast_in_dim3A_3 {strides = array<i32>} : memref<65536xf32, #tpu.memory_space<vmem>>, vector<16xf32>,
    }
    %scan3A_10 = arith.constant 256 : i32
    %get3A = arith.constant 0 : index
    %get3A_11 = tpu.vector_load %arg4[%get3A] {strides = array<i32>} : memref<1024xi32, #tpu.memory_space<vmem>>, vector<16xi32>,
    %add3A_12 = arith.constant 0 : i32
    %add3A_13 = vector.broadcast %add3A_12 : i32 to vector<16xi32>
    %add3A_14 = arith.addi %add3A_13, %iota3A : vector<16xi32>
    %shift_right_logical3A = arith.constant 6 : i32
    %shift_right_logical3A_15 = vector.broadcast %shift_right_logical3A : i32 to vector<16xi32>
    %shift_right_logical3A_16 = arith.shrui %get3A_11, %shift_right_logical3A_15 : vector<16xi32>
    %and3A = arith.constant 63 : i32
    %and3A_17 = vector.broadcast %and3A : i32 to vector<16xi32>
    %and3A_18 = arith.andi %get3A_11, %and3A_17 : vector<16xi32>
    %mul3A_19 = arith.constant 64 : i32
    %mul3A_20 = vector.broadcast %mul3A_19 : i32 to vector<16xi32>
    %mul3A_21 = arith.muli %add3A_14, %mul3A_20 : vector<16xi32>
    %add3A_22 = arith.addi %mul3A_21, %shift_right_logical3A_16 : vector<16xi32>
    tpu.vector_store_idx %arg5[%add3A_22], %broadcast_in_dim3A_5 : memref<65536xf32, #tpu.memory_space<vmem>>[vector<16xi32>], vector<16xf32>,
    %add3A_23 = arith.addi %mul3A_21, %and3A_18 : vector<16xi32>
    tpu.vector_store_idx %arg5[%add3A_23], %broadcast_in_dim3A_5 : memref<65536xf32, #tpu.memory_space<vmem>>[vector<16xi32>], vector<16xf32>,
    %get3A_24 = arith.constant 16 : index
    %get3A_25 = tpu.vector_load %arg4[%get3A_24] {strides = array<i32>} : memref<1024xi32, #tpu.memory_space<vmem>>, vector<16xi32>,
    %add3A_26 = arith.constant 16 : i32
    %add3A_27 = vector.broadcast %add3A_26 : i32 to vector<16xi32>
    %add3A_28 = arith.addi %add3A_27, %iota3A : vector<16xi32>
    %shift_right_logical3A_29 = arith.constant 6 : i32
    %shift_right_logical3A_30 = vector.broadcast %shift_right_logical3A_29 : i32 to vector<16xi32>
    %shift_right_logical3A_31 = arith.shrui %get3A_25, %shift_right_logical3A_30 : vector<16xi32>
    %and3A_32 = arith.constant 63 : i32
    %and3A_33 = vector.broadcast %and3A_32 : i32 to vector<16xi32>
    %and3A_34 = arith.andi %get3A_25, %and3A_33 : vector<16xi32>
    %mul3A_35 = arith.constant 64 : i32
    %mul3A_36 = vector.broadcast %mul3A_35 : i32 to vector<16xi32>
    %mul3A_37 = arith.muli %add3A_28, %mul3A_36 : vector<16xi32>
    %add3A_38 = arith.addi %mul3A_37, %shift_right_logical3A_31 : vector<16xi32>
    tpu.vector_store_idx %arg5[%add3A_38], %broadcast_in_dim3A_5 : memref<65536xf32, #tpu.memory_space<vmem>>[vector<16xi32>], vector<16xf32>,
    %add3A_39 = arith.addi %mul3A_37, %and3A_34 : vector<16xi32>
    tpu.vector_store_idx %arg5[%add3A_39], %broadcast_in_dim3A_5 : memref<65536xf32, #tpu.memory_space<vmem>>[vector<16xi32>], vector<16xf32>,
    %get3A_40 = arith.constant 32 : index
    %get3A_41 = tpu.vector_load %arg4[%get3A_40] {strides = array<i32>} : memref<1024xi32, #tpu.memory_space<vmem>>, vector<16xi32>,
    %add3A_42 = arith.constant 32 : i32
    %add3A_43 = vector.broadcast %add3A_42 : i32 to vector<16xi32>
    %add3A_44 = arith.addi %add3A_43, %iota3A : vector<16xi32>
    %shift_right_logical3A_45 = arith.constant 6 : i32
    %shift_right_logical3A_46 = vector.broadcast %shift_right_logical3A_45 : i32 to vector<16xi32>
    %shift_right_logical3A_47 = arith.shrui %get3A_41, %shift_right_logical3A_46 : vector<16xi32>
    %and3A_48 = arith.constant 63 : i32
    %and3A_49 = vector.broadcast %and3A_48 : i32 to vector<16xi32>
    %and3A_50 = arith.andi %get3A_41, %and3A_49 : vector<16xi32>
    %mul3A_51 = arith.constant 64 : i32
    %mul3A_52 = vector.broadcast %mul3A_51 : i32 to vector<16xi32>
    %mul3A_53 = arith.muli %add3A_44, %mul3A_52 : vector<16xi32>
    %add3A_54 = arith.addi %mul3A_53, %shift_right_logical3A_47 : vector<16xi32>
    tpu.vector_store_idx %arg5[%add3A_54], %broadcast_in_dim3A_5 : memref<65536xf32, #tpu.memory_space<vmem>>[vector<16xi32>], vector<16xf32>,
    %add3A_55 = arith.addi %mul3A_53, %and3A_50 : vector<16xi32>
    tpu.vector_store_idx %arg5[%add3A_55], %broadcast_in_dim3A_5 : memref<65536xf32, #tpu.memory_space<vmem>>[vector<16xi32>], vector<16xf32>,
    %get3A_56 = arith.constant 48 : index
    %get3A_57 = tpu.vector_load %arg4[%get3A_56] {strides = array<i32>} : memref<1024xi32, #tpu.memory_space<vmem>>, vector<16xi32>,
    %add3A_58 = arith.constant 48 : i32
    %add3A_59 = vector.broadcast %add3A_58 : i32 to vector<16xi32>
    %add3A_60 = arith.addi %add3A_59, %iota3A : vector<16xi32>
    %shift_right_logical3A_61 = arith.constant 6 : i32
    %shift_right_logical3A_62 = vector.broadcast %shift_right_logical3A_61 : i32 to vector<16xi32>
    %shift_right_logical3A_63 = arith.shrui %get3A_57, %shift_right_logical3A_62 : vector<16xi32>
    %and3A_64 = arith.constant 63 : i32
    %and3A_65 = vector.broadcast %and3A_64 : i32 to vector<16xi32>
    %and3A_66 = arith.andi %get3A_57, %and3A_65 : vector<16xi32>
    %mul3A_67 = arith.constant 64 : i32
    %mul3A_68 = vector.broadcast %mul3A_67 : i32 to vector<16xi32>
    %mul3A_69 = arith.muli %add3A_60, %mul3A_68 : vector<16xi32>
    %add3A_70 = arith.addi %mul3A_69, %shift_right_logical3A_63 : vector<16xi32>
    tpu.vector_store_idx %arg5[%add3A_70], %broadcast_in_dim3A_5 : memref<65536xf32, #tpu.memory_space<vmem>>[vector<16xi32>], vector<16xf32>,
    %add3A_71 = arith.addi %mul3A_69, %and3A_66 : vector<16xi32>
    tpu.vector_store_idx %arg5[%add3A_71], %broadcast_in_dim3A_5 : memref<65536xf32, #tpu.memory_space<vmem>>[vector<16xi32>], vector<16xf32>,
    %get3A_72 = arith.constant 64 : index
    %get3A_73 = tpu.vector_load %arg4[%get3A_72] {strides = array<i32>} : memref<1024xi32, #tpu.memory_space<vmem>>, vector<16xi32>,
    %add3A_74 = arith.constant 64 : i32
    %add3A_75 = vector.broadcast %add3A_74 : i32 to vector<16xi32>
    %add3A_76 = arith.addi %add3A_75, %iota3A : vector<16xi32>
    %shift_right_logical3A_77 = arith.constant 6 : i32
    %shift_right_logical3A_78 = vector.broadcast %shift_right_logical3A_77 : i32 to vector<16xi32>
    %shift_right_logical3A_79 = arith.shrui %get3A_73, %shift_right_logical3A_78 : vector<16xi32>
    %and3A_80 = arith.constant 63 : i32
    %and3A_81 = vector.broadcast %and3A_80 : i32 to vector<16xi32>
    %and3A_82 = arith.andi %get3A_73, %and3A_81 : vector<16xi32>
    %mul3A_83 = arith.constant 64 : i32
    %mul3A_84 = vector.broadcast %mul3A_83 : i32 to vector<16xi32>
    %mul3A_85 = arith.muli %add3A_76, %mul3A_84 : vector<16xi32>
    %add3A_86 = arith.addi %mul3A_85, %shift_right_logical3A_79 : vector<16xi32>
    tpu.vector_store_idx %arg5[%add3A_86], %broadcast_in_dim3A_5 : memref<65536xf32, #tpu.memory_space<vmem>>[vector<16xi32>], vector<16xf32>,
    %add3A_87 = arith.addi %mul3A_85, %and3A_82 : vector<16xi32>
    tpu.vector_store_idx %arg5[%add3A_87], %broadcast_in_dim3A_5 : memref<65536xf32, #tpu.memory_space<vmem>>[vector<16xi32>], vector<16xf32>,
    %get3A_88 = arith.constant 80 : index
    %get3A_89 = tpu.vector_load %arg4[%get3A_88] {strides = array<i32>} : memref<1024xi32, #tpu.memory_space<vmem>>, vector<16xi32>,
    %add3A_90 = arith.constant 80 : i32
    %add3A_91 = vector.broadcast %add3A_90 : i32 to vector<16xi32>
    %add3A_92 = arith.addi %add3A_91, %iota3A : vector<16xi32>
    %shift_right_logical3A_93 = arith.constant 6 : i32
    %shift_right_logical3A_94 = vector.broadcast %shift_right_logical3A_93 : i32 to vector<16xi32>
    %shift_right_logical3A_95 = arith.shrui %get3A_89, %shift_right_logical3A_94 : vector<16xi32>
    %and3A_96 = arith.constant 63 : i32
    %and3A_97 = vector.broadcast %and3A_96 : i32 to vector<16xi32>
    %and3A_98 = arith.andi %get3A_89, %and3A_97 : vector<16xi32>
    %mul3A_99 = arith.constant 64 : i32
    %mul3A_100 = vector.broadcast %mul3A_99 : i32 to vector<16xi32>
    %mul3A_101 = arith.muli %add3A_92, %mul3A_100 : vector<16xi32>
    %add3A_102 = arith.addi %mul3A_101, %shift_right_logical3A_95 : vector<16xi32>
    tpu.vector_store_idx %arg5[%add3A_102], %broadcast_in_dim3A_5 : memref<65536xf32, #tpu.memory_space<vmem>>[vector<16xi32>], vector<16xf32>,
    %add3A_103 = arith.addi %mul3A_101, %and3A_98 : vector<16xi32>
    tpu.vector_store_idx %arg5[%add3A_103], %broadcast_in_dim3A_5 : memref<65536xf32, #tpu.memory_space<vmem>>[vector<16xi32>], vector<16xf32>,
    %get3A_104 = arith.constant 96 : index
    %get3A_105 = tpu.vector_load %arg4[%get3A_104] {strides = array<i32>} : memref<1024xi32, #tpu.memory_space<vmem>>, vector<16xi32>,
    %add3A_106 = arith.constant 96 : i32
    %add3A_107 = vector.broadcast %add3A_106 : i32 to vector<16xi32>
    %add3A_108 = arith.addi %add3A_107, %iota3A : vector<16xi32>
    %shift_right_logical3A_109 = arith.constant 6 : i32
    %shift_right_logical3A_110 = vector.broadcast %shift_right_logical3A_109 : i32 to vector<16xi32>
    %shift_right_logical3A_111 = arith.shrui %get3A_105, %shift_right_logical3A_110 : vector<16xi32>
    %and3A_112 = arith.constant 63 : i32
    %and3A_113 = vector.broadcast %and3A_112 : i32 to vector<16xi32>
    %and3A_114 = arith.andi %get3A_105, %and3A_113 : vector<16xi32>
    %mul3A_115 = arith.constant 64 : i32
    %mul3A_116 = vector.broadcast %mul3A_115 : i32 to vector<16xi32>
    %mul3A_117 = arith.muli %add3A_108, %mul3A_116 : vector<16xi32>
    %add3A_118 = arith.addi %mul3A_117, %shift_right_logical3A_111 : vector<16xi32>
    tpu.vector_store_idx %arg5[%add3A_118], %broadcast_in_dim3A_5 : memref<65536xf32, #tpu.memory_space<vmem>>[vector<16xi32>], vector<16xf32>,
    %add3A_119 = arith.addi %mul3A_117, %and3A_114 : vector<16xi32>
    tpu.vector_store_idx %arg5[%add3A_119], %broadcast_in_dim3A_5 : memref<65536xf32, #tpu.memory_space<vmem>>[vector<16xi32>], vector<16xf32>,
    %get3A_120 = arith.constant 112 : index
    %get3A_121 = tpu.vector_load %arg4[%get3A_120] {strides = array<i32>} : memref<1024xi32, #tpu.memory_space<vmem>>, vector<16xi32>,
    %add3A_122 = arith.constant 112 : i32
    %add3A_123 = vector.broadcast %add3A_122 : i32 to vector<16xi32>
    %add3A_124 = arith.addi %add3A_123, %iota3A : vector<16xi32>
    %shift_right_logical3A_125 = arith.constant 6 : i32
    %shift_right_logical3A_126 = vector.broadcast %shift_right_logical3A_125 : i32 to vector<16xi32>
    %shift_right_logical3A_127 = arith.shrui %get3A_121, %shift_right_logical3A_126 : vector<16xi32>
    %and3A_128 = arith.constant 63 : i32
    %and3A_129 = vector.broadcast %and3A_128 : i32 to vector<16xi32>
    %and3A_130 = arith.andi %get3A_121, %and3A_129 : vector<16xi32>
    %mul3A_131 = arith.constant 64 : i32
    %mul3A_132 = vector.broadcast %mul3A_131 : i32 to vector<16xi32>
    %mul3A_133 = arith.muli %add3A_124, %mul3A_132 : vector<16xi32>
    %add3A_134 = arith.addi %mul3A_133, %shift_right_logical3A_127 : vector<16xi32>
    tpu.vector_store_idx %arg5[%add3A_134], %broadcast_in_dim3A_5 : memref<65536xf32, #tpu.memory_space<vmem>>[vector<16xi32>], vector<16xf32>,
    %add3A_135 = arith.addi %mul3A_133, %and3A_130 : vector<16xi32>
    tpu.vector_store_idx %arg5[%add3A_135], %broadcast_in_dim3A_5 : memref<65536xf32, #tpu.memory_space<vmem>>[vector<16xi32>], vector<16xf32>,
    %get3A_136 = arith.constant 128 : index
    %get3A_137 = tpu.vector_load %arg4[%get3A_136] {strides = array<i32>} : memref<1024xi32, #tpu.memory_space<vmem>>, vector<16xi32>,
    %add3A_138 = arith.constant 128 : i32
    %add3A_139 = vector.broadcast %add3A_138 : i32 to vector<16xi32>
    %add3A_140 = arith.addi %add3A_139, %iota3A : vector<16xi32>
    %shift_right_logical3A_141 = arith.constant 6 : i32
    %shift_right_logical3A_142 = vector.broadcast %shift_right_logical3A_141 : i32 to vector<16xi32>
    %shift_right_logical3A_143 = arith.shrui %get3A_137, %shift_right_logical3A_142 : vector<16xi32>
    %and3A_144 = arith.constant 63 : i32
    %and3A_145 = vector.broadcast %and3A_144 : i32 to vector<16xi32>
    %and3A_146 = arith.andi %get3A_137, %and3A_145 : vector<16xi32>
    %mul3A_147 = arith.constant 64 : i32
    %mul3A_148 = vector.broadcast %mul3A_147 : i32 to vector<16xi32>
    %mul3A_149 = arith.muli %add3A_140, %mul3A_148 : vector<16xi32>
    %add3A_150 = arith.addi %mul3A_149, %shift_right_logical3A_143 : vector<16xi32>
    tpu.vector_store_idx %arg5[%add3A_150], %broadcast_in_dim3A_5 : memref<65536xf32, #tpu.memory_space<vmem>>[vector<16xi32>], vector<16xf32>,
    %add3A_151 = arith.addi %mul3A_149, %and3A_146 : vector<16xi32>
    tpu.vector_store_idx %arg5[%add3A_151], %broadcast_in_dim3A_5 : memref<65536xf32, #tpu.memory_space<vmem>>[vector<16xi32>], vector<16xf32>,
    %get3A_152 = arith.constant 144 : index
    %get3A_153 = tpu.vector_load %arg4[%get3A_152] {strides = array<i32>} : memref<1024xi32, #tpu.memory_space<vmem>>, vector<16xi32>,
    %add3A_154 = arith.constant 144 : i32
    %add3A_155 = vector.broadcast %add3A_154 : i32 to vector<16xi32>
    %add3A_156 = arith.addi %add3A_155, %iota3A : vector<16xi32>
    %shift_right_logical3A_157 = arith.constant 6 : i32
    %shift_right_logical3A_158 = vector.broadcast %shift_right_logical3A_157 : i32 to vector<16xi32>
    %shift_right_logical3A_159 = arith.shrui %get3A_153, %shift_right_logical3A_158 : vector<16xi32>
    %and3A_160 = arith.constant 63 : i32
    %and3A_161 = vector.broadcast %and3A_160 : i32 to vector<16xi32>
    %and3A_162 = arith.andi %get3A_153, %and3A_161 : vector<16xi32>
    %mul3A_163 = arith.constant 64 : i32
    %mul3A_164 = vector.broadcast %mul3A_163 : i32 to vector<16xi32>
    %mul3A_165 = arith.muli %add3A_156, %mul3A_164 : vector<16xi32>
    %add3A_166 = arith.addi %mul3A_165, %shift_right_logical3A_159 : vector<16xi32>
    tpu.vector_store_idx %arg5[%add3A_166], %broadcast_in_dim3A_5 : memref<65536xf32, #tpu.memory_space<vmem>>[vector<16xi32>], vector<16xf32>,
    %add3A_167 = arith.addi %mul3A_165, %and3A_162 : vector<16xi32>
    tpu.vector_store_idx %arg5[%add3A_167], %broadcast_in_dim3A_5 : memref<65536xf32, #tpu.memory_space<vmem>>[vector<16xi32>], vector<16xf32>,
    %get3A_168 = arith.constant 160 : index
    %get3A_169 = tpu.vector_load %arg4[%get3A_168] {strides = array<i32>} : memref<1024xi32, #tpu.memory_space<vmem>>, vector<16xi32>,
    %add3A_170 = arith.constant 160 : i32
    %add3A_171 = vector.broadcast %add3A_170 : i32 to vector<16xi32>
    %add3A_172 = arith.addi %add3A_171, %iota3A : vector<16xi32>
    %shift_right_logical3A_173 = arith.constant 6 : i32
    %shift_right_logical3A_174 = vector.broadcast %shift_right_logical3A_173 : i32 to vector<16xi32>
    %shift_right_logical3A_175 = arith.shrui %get3A_169, %shift_right_logical3A_174 : vector<16xi32>
    %and3A_176 = arith.constant 63 : i32
    %and3A_177 = vector.broadcast %and3A_176 : i32 to vector<16xi32>
    %and3A_178 = arith.andi %get3A_169, %and3A_177 : vector<16xi32>
    %mul3A_179 = arith.constant 64 : i32
    %mul3A_180 = vector.broadcast %mul3A_179 : i32 to vector<16xi32>
    %mul3A_181 = arith.muli %add3A_172, %mul3A_180 : vector<16xi32>
    %add3A_182 = arith.addi %mul3A_181, %shift_right_logical3A_175 : vector<16xi32>
    tpu.vector_store_idx %arg5[%add3A_182], %broadcast_in_dim3A_5 : memref<65536xf32, #tpu.memory_space<vmem>>[vector<16xi32>], vector<16xf32>,
    %add3A_183 = arith.addi %mul3A_181, %and3A_178 : vector<16xi32>
    tpu.vector_store_idx %arg5[%add3A_183], %broadcast_in_dim3A_5 : memref<65536xf32, #tpu.memory_space<vmem>>[vector<16xi32>], vector<16xf32>,
    %get3A_184 = arith.constant 176 : index
    %get3A_185 = tpu.vector_load %arg4[%get3A_184] {strides = array<i32>} : memref<1024xi32, #tpu.memory_space<vmem>>, vector<16xi32>,
    %add3A_186 = arith.constant 176 : i32
    %add3A_187 = vector.broadcast %add3A_186 : i32 to vector<16xi32>
    %add3A_188 = arith.addi %add3A_187, %iota3A : vector<16xi32>
    %shift_right_logical3A_189 = arith.constant 6 : i32
    %shift_right_logical3A_190 = vector.broadcast %shift_right_logical3A_189 : i32 to vector<16xi32>
    %shift_right_logical3A_191 = arith.shrui %get3A_185, %shift_right_logical3A_190 : vector<16xi32>
    %and3A_192 = arith.constant 63 : i32
    %and3A_193 = vector.broadcast %and3A_192 : i32 to vector<16xi32>
    %and3A_194 = arith.andi %get3A_185, %and3A_193 : vector<16xi32>
    %mul3A_195 = arith.constant 64 : i32
    %mul3A_196 = vector.broadcast %mul3A_195 : i32 to vector<16xi32>
    %mul3A_197 = arith.muli %add3A_188, %mul3A_196 : vector<16xi32>
    %add3A_198 = arith.addi %mul3A_197, %shift_right_logical3A_191 : vector<16xi32>
    tpu.vector_store_idx %arg5[%add3A_198], %broadcast_in_dim3A_5 : memref<65536xf32, #tpu.memory_space<vmem>>[vector<16xi32>], vector<16xf32>,
    %add3A_199 = arith.addi %mul3A_197, %and3A_194 : vector<16xi32>
    tpu.vector_store_idx %arg5[%add3A_199], %broadcast_in_dim3A_5 : memref<65536xf32, #tpu.memory_space<vmem>>[vector<16xi32>], vector<16xf32>,
    %get3A_200 = arith.constant 192 : index
    %get3A_201 = tpu.vector_load %arg4[%get3A_200] {strides = array<i32>} : memref<1024xi32, #tpu.memory_space<vmem>>, vector<16xi32>,
    %add3A_202 = arith.constant 192 : i32
    %add3A_203 = vector.broadcast %add3A_202 : i32 to vector<16xi32>
    %add3A_204 = arith.addi %add3A_203, %iota3A : vector<16xi32>
    %shift_right_logical3A_205 = arith.constant 6 : i32
    %shift_right_logical3A_206 = vector.broadcast %shift_right_logical3A_205 : i32 to vector<16xi32>
    %shift_right_logical3A_207 = arith.shrui %get3A_201, %shift_right_logical3A_206 : vector<16xi32>
    %and3A_208 = arith.constant 63 : i32
    %and3A_209 = vector.broadcast %and3A_208 : i32 to vector<16xi32>
    %and3A_210 = arith.andi %get3A_201, %and3A_209 : vector<16xi32>
    %mul3A_211 = arith.constant 64 : i32
    %mul3A_212 = vector.broadcast %mul3A_211 : i32 to vector<16xi32>
    %mul3A_213 = arith.muli %add3A_204, %mul3A_212 : vector<16xi32>
    %add3A_214 = arith.addi %mul3A_213, %shift_right_logical3A_207 : vector<16xi32>
    tpu.vector_store_idx %arg5[%add3A_214], %broadcast_in_dim3A_5 : memref<65536xf32, #tpu.memory_space<vmem>>[vector<16xi32>], vector<16xf32>,
    %add3A_215 = arith.addi %mul3A_213, %and3A_210 : vector<16xi32>
    tpu.vector_store_idx %arg5[%add3A_215], %broadcast_in_dim3A_5 : memref<65536xf32, #tpu.memory_space<vmem>>[vector<16xi32>], vector<16xf32>,
    %get3A_216 = arith.constant 208 : index
    %get3A_217 = tpu.vector_load %arg4[%get3A_216] {strides = array<i32>} : memref<1024xi32, #tpu.memory_space<vmem>>, vector<16xi32>,
    %add3A_218 = arith.constant 208 : i32
    %add3A_219 = vector.broadcast %add3A_218 : i32 to vector<16xi32>
    %add3A_220 = arith.addi %add3A_219, %iota3A : vector<16xi32>
    %shift_right_logical3A_221 = arith.constant 6 : i32
    %shift_right_logical3A_222 = vector.broadcast %shift_right_logical3A_221 : i32 to vector<16xi32>
    %shift_right_logical3A_223 = arith.shrui %get3A_217, %shift_right_logical3A_222 : vector<16xi32>
    %and3A_224 = arith.constant 63 : i32
    %and3A_225 = vector.broadcast %and3A_224 : i32 to vector<16xi32>
    %and3A_226 = arith.andi %get3A_217, %and3A_225 : vector<16xi32>
    %mul3A_227 = arith.constant 64 : i32
    %mul3A_228 = vector.broadcast %mul3A_227 : i32 to vector<16xi32>
    %mul3A_229 = arith.muli %add3A_220, %mul3A_228 : vector<16xi32>
    %add3A_230 = arith.addi %mul3A_229, %shift_right_logical3A_223 : vector<16xi32>
    tpu.vector_store_idx %arg5[%add3A_230], %broadcast_in_dim3A_5 : memref<65536xf32, #tpu.memory_space<vmem>>[vector<16xi32>], vector<16xf32>,
    %add3A_231 = arith.addi %mul3A_229, %and3A_226 : vector<16xi32>
    tpu.vector_store_idx %arg5[%add3A_231], %broadcast_in_dim3A_5 : memref<65536xf32, #tpu.memory_space<vmem>>[vector<16xi32>], vector<16xf32>,
    %get3A_232 = arith.constant 224 : index
    %get3A_233 = tpu.vector_load %arg4[%get3A_232] {strides = array<i32>} : memref<1024xi32, #tpu.memory_space<vmem>>, vector<16xi32>,
    %add3A_234 = arith.constant 224 : i32
    %add3A_235 = vector.broadcast %add3A_234 : i32 to vector<16xi32>
    %add3A_236 = arith.addi %add3A_235, %iota3A : vector<16xi32>
    %shift_right_logical3A_237 = arith.constant 6 : i32
    %shift_right_logical3A_238 = vector.broadcast %shift_right_logical3A_237 : i32 to vector<16xi32>
    %shift_right_logical3A_239 = arith.shrui %get3A_233, %shift_right_logical3A_238 : vector<16xi32>
    %and3A_240 = arith.constant 63 : i32
    %and3A_241 = vector.broadcast %and3A_240 : i32 to vector<16xi32>
    %and3A_242 = arith.andi %get3A_233, %and3A_241 : vector<16xi32>
    %mul3A_243 = arith.constant 64 : i32
    %mul3A_244 = vector.broadcast %mul3A_243 : i32 to vector<16xi32>
    %mul3A_245 = arith.muli %add3A_236, %mul3A_244 : vector<16xi32>
    %add3A_246 = arith.addi %mul3A_245, %shift_right_logical3A_239 : vector<16xi32>
    tpu.vector_store_idx %arg5[%add3A_246], %broadcast_in_dim3A_5 : memref<65536xf32, #tpu.memory_space<vmem>>[vector<16xi32>], vector<16xf32>,
    %add3A_247 = arith.addi %mul3A_245, %and3A_242 : vector<16xi32>
    tpu.vector_store_idx %arg5[%add3A_247], %broadcast_in_dim3A_5 : memref<65536xf32, #tpu.memory_space<vmem>>[vector<16xi32>], vector<16xf32>,
    %get3A_248 = arith.constant 240 : index
    %get3A_249 = tpu.vector_load %arg4[%get3A_248] {strides = array<i32>} : memref<1024xi32, #tpu.memory_space<vmem>>, vector<16xi32>,
    %add3A_250 = arith.constant 240 : i32
    %add3A_251 = vector.broadcast %add3A_250 : i32 to vector<16xi32>
    %add3A_252 = arith.addi %add3A_251, %iota3A : vector<16xi32>
    %shift_right_logical3A_253 = arith.constant 6 : i32
    %shift_right_logical3A_254 = vector.broadcast %shift_right_logical3A_253 : i32 to vector<16xi32>
    %shift_right_logical3A_255 = arith.shrui %get3A_249, %shift_right_logical3A_254 : vector<16xi32>
    %and3A_256 = arith.constant 63 : i32
    %and3A_257 = vector.broadcast %and3A_256 : i32 to vector<16xi32>
    %and3A_258 = arith.andi %get3A_249, %and3A_257 : vector<16xi32>
    %mul3A_259 = arith.constant 64 : i32
    %mul3A_260 = vector.broadcast %mul3A_259 : i32 to vector<16xi32>
    %mul3A_261 = arith.muli %add3A_252, %mul3A_260 : vector<16xi32>
    %add3A_262 = arith.addi %mul3A_261, %shift_right_logical3A_255 : vector<16xi32>
    tpu.vector_store_idx %arg5[%add3A_262], %broadcast_in_dim3A_5 : memref<65536xf32, #tpu.memory_space<vmem>>[vector<16xi32>], vector<16xf32>,
    %add3A_263 = arith.addi %mul3A_261, %and3A_258 : vector<16xi32>
    tpu.vector_store_idx %arg5[%add3A_263], %broadcast_in_dim3A_5 : memref<65536xf32, #tpu.memory_space<vmem>>[vector<16xi32>], vector<16xf32>,
    %get3A_264 = arith.constant 256 : index
    %get3A_265 = tpu.vector_load %arg4[%get3A_264] {strides = array<i32>} : memref<1024xi32, #tpu.memory_space<vmem>>, vector<16xi32>,
    %add3A_266 = arith.constant 256 : i32
    %add3A_267 = vector.broadcast %add3A_266 : i32 to vector<16xi32>
    %add3A_268 = arith.addi %add3A_267, %iota3A : vector<16xi32>
    %shift_right_logical3A_269 = arith.constant 6 : i32
    %shift_right_logical3A_270 = vector.broadcast %shift_right_logical3A_269 : i32 to vector<16xi32>
    %shift_right_logical3A_271 = arith.shrui %get3A_265, %shift_right_logical3A_270 : vector<16xi32>
    %and3A_272 = arith.constant 63 : i32
    %and3A_273 = vector.broadcast %and3A_272 : i32 to vector<16xi32>
    %and3A_274 = arith.andi %get3A_265, %and3A_273 : vector<16xi32>
    %mul3A_275 = arith.constant 64 : i32
    %mul3A_276 = vector.broadcast %mul3A_275 : i32 to vector<16xi32>
    %mul3A_277 = arith.muli %add3A_268, %mul3A_276 : vector<16xi32>
    %add3A_278 = arith.addi %mul3A_277, %shift_right_logical3A_271 : vector<16xi32>
    tpu.vector_store_idx %arg5[%add3A_278], %broadcast_in_dim3A_5 : memref<65536xf32, #tpu.memory_space<vmem>>[vector<16xi32>], vector<16xf32>,
    %add3A_279 = arith.addi %mul3A_277, %and3A_274 : vector<16xi32>
    tpu.vector_store_idx %arg5[%add3A_279], %broadcast_in_dim3A_5 : memref<65536xf32, #tpu.memory_space<vmem>>[vector<16xi32>], vector<16xf32>,
    %get3A_280 = arith.constant 272 : index
    %get3A_281 = tpu.vector_load %arg4[%get3A_280] {strides = array<i32>} : memref<1024xi32, #tpu.memory_space<vmem>>, vector<16xi32>,
    %add3A_282 = arith.constant 272 : i32
    %add3A_283 = vector.broadcast %add3A_282 : i32 to vector<16xi32>
    %add3A_284 = arith.addi %add3A_283, %iota3A : vector<16xi32>
    %shift_right_logical3A_285 = arith.constant 6 : i32
    %shift_right_logical3A_286 = vector.broadcast %shift_right_logical3A_285 : i32 to vector<16xi32>
    %shift_right_logical3A_287 = arith.shrui %get3A_281, %shift_right_logical3A_286 : vector<16xi32>
    %and3A_288 = arith.constant 63 : i32
    %and3A_289 = vector.broadcast %and3A_288 : i32 to vector<16xi32>
    %and3A_290 = arith.andi %get3A_281, %and3A_289 : vector<16xi32>
    %mul3A_291 = arith.constant 64 : i32
    %mul3A_292 = vector.broadcast %mul3A_291 : i32 to vector<16xi32>
    %mul3A_293 = arith.muli %add3A_284, %mul3A_292 : vector<16xi32>
    %add3A_294 = arith.addi %mul3A_293, %shift_right_logical3A_287 : vector<16xi32>
    tpu.vector_store_idx %arg5[%add3A_294], %broadcast_in_dim3A_5 : memref<65536xf32, #tpu.memory_space<vmem>>[vector<16xi32>], vector<16xf32>,
    %add3A_295 = arith.addi %mul3A_293, %and3A_290 : vector<16xi32>
    tpu.vector_store_idx %arg5[%add3A_295], %broadcast_in_dim3A_5 : memref<65536xf32, #tpu.memory_space<vmem>>[vector<16xi32>], vector<16xf32>,
    %get3A_296 = arith.constant 288 : index
    %get3A_297 = tpu.vector_load %arg4[%get3A_296] {strides = array<i32>} : memref<1024xi32, #tpu.memory_space<vmem>>, vector<16xi32>,
    %add3A_298 = arith.constant 288 : i32
    %add3A_299 = vector.broadcast %add3A_298 : i32 to vector<16xi32>
    %add3A_300 = arith.addi %add3A_299, %iota3A : vector<16xi32>
    %shift_right_logical3A_301 = arith.constant 6 : i32
    %shift_right_logical3A_302 = vector.broadcast %shift_right_logical3A_301 : i32 to vector<16xi32>
    %shift_right_logical3A_303 = arith.shrui %get3A_297, %shift_right_logical3A_302 : vector<16xi32>
    %and3A_304 = arith.constant 63 : i32
    %and3A_305 = vector.broadcast %and3A_304 : i32 to vector<16xi32>
    %and3A_306 = arith.andi %get3A_297, %and3A_305 : vector<16xi32>
    %mul3A_307 = arith.constant 64 : i32
    %mul3A_308 = vector.broadcast %mul3A_307 : i32 to vector<16xi32>
    %mul3A_309 = arith.muli %add3A_300, %mul3A_308 : vector<16xi32>
    %add3A_310 = arith.addi %mul3A_309, %shift_right_logical3A_303 : vector<16xi32>
    tpu.vector_store_idx %arg5[%add3A_310], %broadcast_in_dim3A_5 : memref<65536xf32, #tpu.memory_space<vmem>>[vector<16xi32>], vector<16xf32>,
    %add3A_311 = arith.addi %mul3A_309, %and3A_306 : vector<16xi32>
    tpu.vector_store_idx %arg5[%add3A_311], %broadcast_in_dim3A_5 : memref<65536xf32, #tpu.memory_space<vmem>>[vector<16xi32>], vector<16xf32>,
    %get3A_312 = arith.constant 304 : index
    %get3A_313 = tpu.vector_load %arg4[%get3A_312] {strides = array<i32>} : memref<1024xi32, #tpu.memory_space<vmem>>, vector<16xi32>,
    %add3A_314 = arith.constant 304 : i32
    %add3A_315 = vector.broadcast %add3A_314 : i32 to vector<16xi32>
    %add3A_316 = arith.addi %add3A_315, %iota3A : vector<16xi32>
    %shift_right_logical3A_317 = arith.constant 6 : i32
    %shift_right_logical3A_318 = vector.broadcast %shift_right_logical3A_317 : i32 to vector<16xi32>
    %shift_right_logical3A_319 = arith.shrui %get3A_313, %shift_right_logical3A_318 : vector<16xi32>
    %and3A_320 = arith.constant 63 : i32
    %and3A_321 = vector.broadcast %and3A_320 : i32 to vector<16xi32>
    %and3A_322 = arith.andi %get3A_313, %and3A_321 : vector<16xi32>
    %mul3A_323 = arith.constant 64 : i32
    %mul3A_324 = vector.broadcast %mul3A_323 : i32 to vector<16xi32>
    %mul3A_325 = arith.muli %add3A_316, %mul3A_324 : vector<16xi32>
    %add3A_326 = arith.addi %mul3A_325, %shift_right_logical3A_319 : vector<16xi32>
    tpu.vector_store_idx %arg5[%add3A_326], %broadcast_in_dim3A_5 : memref<65536xf32, #tpu.memory_space<vmem>>[vector<16xi32>], vector<16xf32>,
    %add3A_327 = arith.addi %mul3A_325, %and3A_322 : vector<16xi32>
    tpu.vector_store_idx %arg5[%add3A_327], %broadcast_in_dim3A_5 : memref<65536xf32, #tpu.memory_space<vmem>>[vector<16xi32>], vector<16xf32>,
    %get3A_328 = arith.constant 320 : index
    %get3A_329 = tpu.vector_load %arg4[%get3A_328] {strides = array<i32>} : memref<1024xi32, #tpu.memory_space<vmem>>, vector<16xi32>,
    %add3A_330 = arith.constant 320 : i32
    %add3A_331 = vector.broadcast %add3A_330 : i32 to vector<16xi32>
    %add3A_332 = arith.addi %add3A_331, %iota3A : vector<16xi32>
    %shift_right_logical3A_333 = arith.constant 6 : i32
    %shift_right_logical3A_334 = vector.broadcast %shift_right_logical3A_333 : i32 to vector<16xi32>
    %shift_right_logical3A_335 = arith.shrui %get3A_329, %shift_right_logical3A_334 : vector<16xi32>
    %and3A_336 = arith.constant 63 : i32
    %and3A_337 = vector.broadcast %and3A_336 : i32 to vector<16xi32>
    %and3A_338 = arith.andi %get3A_329, %and3A_337 : vector<16xi32>
    %mul3A_339 = arith.constant 64 : i32
    %mul3A_340 = vector.broadcast %mul3A_339 : i32 to vector<16xi32>
    %mul3A_341 = arith.muli %add3A_332, %mul3A_340 : vector<16xi32>
    %add3A_342 = arith.addi %mul3A_341, %shift_right_logical3A_335 : vector<16xi32>
    tpu.vector_store_idx %arg5[%add3A_342], %broadcast_in_dim3A_5 : memref<65536xf32, #tpu.memory_space<vmem>>[vector<16xi32>], vector<16xf32>,
    %add3A_343 = arith.addi %mul3A_341, %and3A_338 : vector<16xi32>
    tpu.vector_store_idx %arg5[%add3A_343], %broadcast_in_dim3A_5 : memref<65536xf32, #tpu.memory_space<vmem>>[vector<16xi32>], vector<16xf32>,
    %get3A_344 = arith.constant 336 : index
    %get3A_345 = tpu.vector_load %arg4[%get3A_344] {strides = array<i32>} : memref<1024xi32, #tpu.memory_space<vmem>>, vector<16xi32>,
    %add3A_346 = arith.constant 336 : i32
    %add3A_347 = vector.broadcast %add3A_346 : i32 to vector<16xi32>
    %add3A_348 = arith.addi %add3A_347, %iota3A : vector<16xi32>
    %shift_right_logical3A_349 = arith.constant 6 : i32
    %shift_right_logical3A_350 = vector.broadcast %shift_right_logical3A_349 : i32 to vector<16xi32>
    %shift_right_logical3A_351 = arith.shrui %get3A_345, %shift_right_logical3A_350 : vector<16xi32>
    %and3A_352 = arith.constant 63 : i32
    %and3A_353 = vector.broadcast %and3A_352 : i32 to vector<16xi32>
    %and3A_354 = arith.andi %get3A_345, %and3A_353 : vector<16xi32>
    %mul3A_355 = arith.constant 64 : i32
    %mul3A_356 = vector.broadcast %mul3A_355 : i32 to vector<16xi32>
    %mul3A_357 = arith.muli %add3A_348, %mul3A_356 : vector<16xi32>
    %add3A_358 = arith.addi %mul3A_357, %shift_right_logical3A_351 : vector<16xi32>
    tpu.vector_store_idx %arg5[%add3A_358], %broadcast_in_dim3A_5 : memref<65536xf32, #tpu.memory_space<vmem>>[vector<16xi32>], vector<16xf32>,
    %add3A_359 = arith.addi %mul3A_357, %and3A_354 : vector<16xi32>
    tpu.vector_store_idx %arg5[%add3A_359], %broadcast_in_dim3A_5 : memref<65536xf32, #tpu.memory_space<vmem>>[vector<16xi32>], vector<16xf32>,
    %get3A_360 = arith.constant 352 : index
    %get3A_361 = tpu.vector_load %arg4[%get3A_360] {strides = array<i32>} : memref<1024xi32, #tpu.memory_space<vmem>>, vector<16xi32>,
    %add3A_362 = arith.constant 352 : i32
    %add3A_363 = vector.broadcast %add3A_362 : i32 to vector<16xi32>
    %add3A_364 = arith.addi %add3A_363, %iota3A : vector<16xi32>
    %shift_right_logical3A_365 = arith.constant 6 : i32
    %shift_right_logical3A_366 = vector.broadcast %shift_right_logical3A_365 : i32 to vector<16xi32>
    %shift_right_logical3A_367 = arith.shrui %get3A_361, %shift_right_logical3A_366 : vector<16xi32>
    %and3A_368 = arith.constant 63 : i32
    %and3A_369 = vector.broadcast %and3A_368 : i32 to vector<16xi32>
    %and3A_370 = arith.andi %get3A_361, %and3A_369 : vector<16xi32>
    %mul3A_371 = arith.constant 64 : i32
    %mul3A_372 = vector.broadcast %mul3A_371 : i32 to vector<16xi32>
    %mul3A_373 = arith.muli %add3A_364, %mul3A_372 : vector<16xi32>
    %add3A_374 = arith.addi %mul3A_373, %shift_right_logical3A_367 : vector<16xi32>
    tpu.vector_store_idx %arg5[%add3A_374], %broadcast_in_dim3A_5 : memref<65536xf32, #tpu.memory_space<vmem>>[vector<16xi32>], vector<16xf32>,
    %add3A_375 = arith.addi %mul3A_373, %and3A_370 : vector<16xi32>
    tpu.vector_store_idx %arg5[%add3A_375], %broadcast_in_dim3A_5 : memref<65536xf32, #tpu.memory_space<vmem>>[vector<16xi32>], vector<16xf32>,
    %get3A_376 = arith.constant 368 : index
    %get3A_377 = tpu.vector_load %arg4[%get3A_376] {strides = array<i32>} : memref<1024xi32, #tpu.memory_space<vmem>>, vector<16xi32>,
    %add3A_378 = arith.constant 368 : i32
    %add3A_379 = vector.broadcast %add3A_378 : i32 to vector<16xi32>
    %add3A_380 = arith.addi %add3A_379, %iota3A : vector<16xi32>
    %shift_right_logical3A_381 = arith.constant 6 : i32
    %shift_right_logical3A_382 = vector.broadcast %shift_right_logical3A_381 : i32 to vector<16xi32>
    %shift_right_logical3A_383 = arith.shrui %get3A_377, %shift_right_logical3A_382 : vector<16xi32>
    %and3A_384 = arith.constant 63 : i32
    %and3A_385 = vector.broadcast %and3A_384 : i32 to vector<16xi32>
    %and3A_386 = arith.andi %get3A_377, %and3A_385 : vector<16xi32>
    %mul3A_387 = arith.constant 64 : i32
    %mul3A_388 = vector.broadcast %mul3A_387 : i32 to vector<16xi32>
    %mul3A_389 = arith.muli %add3A_380, %mul3A_388 : vector<16xi32>
    %add3A_390 = arith.addi %mul3A_389, %shift_right_logical3A_383 : vector<16xi32>
    tpu.vector_store_idx %arg5[%add3A_390], %broadcast_in_dim3A_5 : memref<65536xf32, #tpu.memory_space<vmem>>[vector<16xi32>], vector<16xf32>,
    %add3A_391 = arith.addi %mul3A_389, %and3A_386 : vector<16xi32>
    tpu.vector_store_idx %arg5[%add3A_391], %broadcast_in_dim3A_5 : memref<65536xf32, #tpu.memory_space<vmem>>[vector<16xi32>], vector<16xf32>,
    %get3A_392 = arith.constant 384 : index
    %get3A_393 = tpu.vector_load %arg4[%get3A_392] {strides = array<i32>} : memref<1024xi32, #tpu.memory_space<vmem>>, vector<16xi32>,
    %add3A_394 = arith.constant 384 : i32
    %add3A_395 = vector.broadcast %add3A_394 : i32 to vector<16xi32>
    %add3A_396 = arith.addi %add3A_395, %iota3A : vector<16xi32>
    %shift_right_logical3A_397 = arith.constant 6 : i32
    %shift_right_logical3A_398 = vector.broadcast %shift_right_logical3A_397 : i32 to vector<16xi32>
    %shift_right_logical3A_399 = arith.shrui %get3A_393, %shift_right_logical3A_398 : vector<16xi32>
    %and3A_400 = arith.constant 63 : i32
    %and3A_401 = vector.broadcast %and3A_400 : i32 to vector<16xi32>
    %and3A_402 = arith.andi %get3A_393, %and3A_401 : vector<16xi32>
    %mul3A_403 = arith.constant 64 : i32
    %mul3A_404 = vector.broadcast %mul3A_403 : i32 to vector<16xi32>
    %mul3A_405 = arith.muli %add3A_396, %mul3A_404 : vector<16xi32>
    %add3A_406 = arith.addi %mul3A_405, %shift_right_logical3A_399 : vector<16xi32>
    tpu.vector_store_idx %arg5[%add3A_406], %broadcast_in_dim3A_5 : memref<65536xf32, #tpu.memory_space<vmem>>[vector<16xi32>], vector<16xf32>,
    %add3A_407 = arith.addi %mul3A_405, %and3A_402 : vector<16xi32>
    tpu.vector_store_idx %arg5[%add3A_407], %broadcast_in_dim3A_5 : memref<65536xf32, #tpu.memory_space<vmem>>[vector<16xi32>], vector<16xf32>,
    %get3A_408 = arith.constant 400 : index
    %get3A_409 = tpu.vector_load %arg4[%get3A_408] {strides = array<i32>} : memref<1024xi32, #tpu.memory_space<vmem>>, vector<16xi32>,
    %add3A_410 = arith.constant 400 : i32
    %add3A_411 = vector.broadcast %add3A_410 : i32 to vector<16xi32>
    %add3A_412 = arith.addi %add3A_411, %iota3A : vector<16xi32>
    %shift_right_logical3A_413 = arith.constant 6 : i32
    %shift_right_logical3A_414 = vector.broadcast %shift_right_logical3A_413 : i32 to vector<16xi32>
    %shift_right_logical3A_415 = arith.shrui %get3A_409, %shift_right_logical3A_414 : vector<16xi32>
    %and3A_416 = arith.constant 63 : i32
    %and3A_417 = vector.broadcast %and3A_416 : i32 to vector<16xi32>
    %and3A_418 = arith.andi %get3A_409, %and3A_417 : vector<16xi32>
    %mul3A_419 = arith.constant 64 : i32
    %mul3A_420 = vector.broadcast %mul3A_419 : i32 to vector<16xi32>
    %mul3A_421 = arith.muli %add3A_412, %mul3A_420 : vector<16xi32>
    %add3A_422 = arith.addi %mul3A_421, %shift_right_logical3A_415 : vector<16xi32>
    tpu.vector_store_idx %arg5[%add3A_422], %broadcast_in_dim3A_5 : memref<65536xf32, #tpu.memory_space<vmem>>[vector<16xi32>], vector<16xf32>,
    %add3A_423 = arith.addi %mul3A_421, %and3A_418 : vector<16xi32>
    tpu.vector_store_idx %arg5[%add3A_423], %broadcast_in_dim3A_5 : memref<65536xf32, #tpu.memory_space<vmem>>[vector<16xi32>], vector<16xf32>,
    %get3A_424 = arith.constant 416 : index
    %get3A_425 = tpu.vector_load %arg4[%get3A_424] {strides = array<i32>} : memref<1024xi32, #tpu.memory_space<vmem>>, vector<16xi32>,
    %add3A_426 = arith.constant 416 : i32
    %add3A_427 = vector.broadcast %add3A_426 : i32 to vector<16xi32>
    %add3A_428 = arith.addi %add3A_427, %iota3A : vector<16xi32>
    %shift_right_logical3A_429 = arith.constant 6 : i32
    %shift_right_logical3A_430 = vector.broadcast %shift_right_logical3A_429 : i32 to vector<16xi32>
    %shift_right_logical3A_431 = arith.shrui %get3A_425, %shift_right_logical3A_430 : vector<16xi32>
    %and3A_432 = arith.constant 63 : i32
    %and3A_433 = vector.broadcast %and3A_432 : i32 to vector<16xi32>
    %and3A_434 = arith.andi %get3A_425, %and3A_433 : vector<16xi32>
    %mul3A_435 = arith.constant 64 : i32
    %mul3A_436 = vector.broadcast %mul3A_435 : i32 to vector<16xi32>
    %mul3A_437 = arith.muli %add3A_428, %mul3A_436 : vector<16xi32>
    %add3A_438 = arith.addi %mul3A_437, %shift_right_logical3A_431 : vector<16xi32>
    tpu.vector_store_idx %arg5[%add3A_438], %broadcast_in_dim3A_5 : memref<65536xf32, #tpu.memory_space<vmem>>[vector<16xi32>], vector<16xf32>,
    %add3A_439 = arith.addi %mul3A_437, %and3A_434 : vector<16xi32>
    tpu.vector_store_idx %arg5[%add3A_439], %broadcast_in_dim3A_5 : memref<65536xf32, #tpu.memory_space<vmem>>[vector<16xi32>], vector<16xf32>,
    %get3A_440 = arith.constant 432 : index
    %get3A_441 = tpu.vector_load %arg4[%get3A_440] {strides = array<i32>} : memref<1024xi32, #tpu.memory_space<vmem>>, vector<16xi32>,
    %add3A_442 = arith.constant 432 : i32
    %add3A_443 = vector.broadcast %add3A_442 : i32 to vector<16xi32>
    %add3A_444 = arith.addi %add3A_443, %iota3A : vector<16xi32>
    %shift_right_logical3A_445 = arith.constant 6 : i32
    %shift_right_logical3A_446 = vector.broadcast %shift_right_logical3A_445 : i32 to vector<16xi32>
    %shift_right_logical3A_447 = arith.shrui %get3A_441, %shift_right_logical3A_446 : vector<16xi32>
    %and3A_448 = arith.constant 63 : i32
    %and3A_449 = vector.broadcast %and3A_448 : i32 to vector<16xi32>
    %and3A_450 = arith.andi %get3A_441, %and3A_449 : vector<16xi32>
    %mul3A_451 = arith.constant 64 : i32
    %mul3A_452 = vector.broadcast %mul3A_451 : i32 to vector<16xi32>
    %mul3A_453 = arith.muli %add3A_444, %mul3A_452 : vector<16xi32>
    %add3A_454 = arith.addi %mul3A_453, %shift_right_logical3A_447 : vector<16xi32>
    tpu.vector_store_idx %arg5[%add3A_454], %broadcast_in_dim3A_5 : memref<65536xf32, #tpu.memory_space<vmem>>[vector<16xi32>], vector<16xf32>,
    %add3A_455 = arith.addi %mul3A_453, %and3A_450 : vector<16xi32>
    tpu.vector_store_idx %arg5[%add3A_455], %broadcast_in_dim3A_5 : memref<65536xf32, #tpu.memory_space<vmem>>[vector<16xi32>], vector<16xf32>,
    %get3A_456 = arith.constant 448 : index
    %get3A_457 = tpu.vector_load %arg4[%get3A_456] {strides = array<i32>} : memref<1024xi32, #tpu.memory_space<vmem>>, vector<16xi32>,
    %add3A_458 = arith.constant 448 : i32
    %add3A_459 = vector.broadcast %add3A_458 : i32 to vector<16xi32>
    %add3A_460 = arith.addi %add3A_459, %iota3A : vector<16xi32>
    %shift_right_logical3A_461 = arith.constant 6 : i32
    %shift_right_logical3A_462 = vector.broadcast %shift_right_logical3A_461 : i32 to vector<16xi32>
    %shift_right_logical3A_463 = arith.shrui %get3A_457, %shift_right_logical3A_462 : vector<16xi32>
    %and3A_464 = arith.constant 63 : i32
    %and3A_465 = vector.broadcast %and3A_464 : i32 to vector<16xi32>
    %and3A_466 = arith.andi %get3A_457, %and3A_465 : vector<16xi32>
    %mul3A_467 = arith.constant 64 : i32
    %mul3A_468 = vector.broadcast %mul3A_467 : i32 to vector<16xi32>
    %mul3A_469 = arith.muli %add3A_460, %mul3A_468 : vector<16xi32>
    %add3A_470 = arith.addi %mul3A_469, %shift_right_logical3A_463 : vector<16xi32>
    tpu.vector_store_idx %arg5[%add3A_470], %broadcast_in_dim3A_5 : memref<65536xf32, #tpu.memory_space<vmem>>[vector<16xi32>], vector<16xf32>,
    %add3A_471 = arith.addi %mul3A_469, %and3A_466 : vector<16xi32>
    tpu.vector_store_idx %arg5[%add3A_471], %broadcast_in_dim3A_5 : memref<65536xf32, #tpu.memory_space<vmem>>[vector<16xi32>], vector<16xf32>,
    %get3A_472 = arith.constant 464 : index
    %get3A_473 = tpu.vector_load %arg4[%get3A_472] {strides = array<i32>} : memref<1024xi32, #tpu.memory_space<vmem>>, vector<16xi32>,
    %add3A_474 = arith.constant 464 : i32
    %add3A_475 = vector.broadcast %add3A_474 : i32 to vector<16xi32>
    %add3A_476 = arith.addi %add3A_475, %iota3A : vector<16xi32>
    %shift_right_logical3A_477 = arith.constant 6 : i32
    %shift_right_logical3A_478 = vector.broadcast %shift_right_logical3A_477 : i32 to vector<16xi32>
    %shift_right_logical3A_479 = arith.shrui %get3A_473, %shift_right_logical3A_478 : vector<16xi32>
    %and3A_480 = arith.constant 63 : i32
    %and3A_481 = vector.broadcast %and3A_480 : i32 to vector<16xi32>
    %and3A_482 = arith.andi %get3A_473, %and3A_481 : vector<16xi32>
    %mul3A_483 = arith.constant 64 : i32
    %mul3A_484 = vector.broadcast %mul3A_483 : i32 to vector<16xi32>
    %mul3A_485 = arith.muli %add3A_476, %mul3A_484 : vector<16xi32>
    %add3A_486 = arith.addi %mul3A_485, %shift_right_logical3A_479 : vector<16xi32>
    tpu.vector_store_idx %arg5[%add3A_486], %broadcast_in_dim3A_5 : memref<65536xf32, #tpu.memory_space<vmem>>[vector<16xi32>], vector<16xf32>,
    %add3A_487 = arith.addi %mul3A_485, %and3A_482 : vector<16xi32>
    tpu.vector_store_idx %arg5[%add3A_487], %broadcast_in_dim3A_5 : memref<65536xf32, #tpu.memory_space<vmem>>[vector<16xi32>], vector<16xf32>,
    %get3A_488 = arith.constant 480 : index
    %get3A_489 = tpu.vector_load %arg4[%get3A_488] {strides = array<i32>} : memref<1024xi32, #tpu.memory_space<vmem>>, vector<16xi32>,
    %add3A_490 = arith.constant 480 : i32
    %add3A_491 = vector.broadcast %add3A_490 : i32 to vector<16xi32>
    %add3A_492 = arith.addi %add3A_491, %iota3A : vector<16xi32>
    %shift_right_logical3A_493 = arith.constant 6 : i32
    %shift_right_logical3A_494 = vector.broadcast %shift_right_logical3A_493 : i32 to vector<16xi32>
    %shift_right_logical3A_495 = arith.shrui %get3A_489, %shift_right_logical3A_494 : vector<16xi32>
    %and3A_496 = arith.constant 63 : i32
    %and3A_497 = vector.broadcast %and3A_496 : i32 to vector<16xi32>
    %and3A_498 = arith.andi %get3A_489, %and3A_497 : vector<16xi32>
    %mul3A_499 = arith.constant 64 : i32
    %mul3A_500 = vector.broadcast %mul3A_499 : i32 to vector<16xi32>
    %mul3A_501 = arith.muli %add3A_492, %mul3A_500 : vector<16xi32>
    %add3A_502 = arith.addi %mul3A_501, %shift_right_logical3A_495 : vector<16xi32>
    tpu.vector_store_idx %arg5[%add3A_502], %broadcast_in_dim3A_5 : memref<65536xf32, #tpu.memory_space<vmem>>[vector<16xi32>], vector<16xf32>,
    %add3A_503 = arith.addi %mul3A_501, %and3A_498 : vector<16xi32>
    tpu.vector_store_idx %arg5[%add3A_503], %broadcast_in_dim3A_5 : memref<65536xf32, #tpu.memory_space<vmem>>[vector<16xi32>], vector<16xf32>,
    %get3A_504 = arith.constant 496 : index
    %get3A_505 = tpu.vector_load %arg4[%get3A_504] {strides = array<i32>} : memref<1024xi32, #tpu.memory_space<vmem>>, vector<16xi32>,
    %add3A_506 = arith.constant 496 : i32
    %add3A_507 = vector.broadcast %add3A_506 : i32 to vector<16xi32>
    %add3A_508 = arith.addi %add3A_507, %iota3A : vector<16xi32>
    %shift_right_logical3A_509 = arith.constant 6 : i32
    %shift_right_logical3A_510 = vector.broadcast %shift_right_logical3A_509 : i32 to vector<16xi32>
    %shift_right_logical3A_511 = arith.shrui %get3A_505, %shift_right_logical3A_510 : vector<16xi32>
    %and3A_512 = arith.constant 63 : i32
    %and3A_513 = vector.broadcast %and3A_512 : i32 to vector<16xi32>
    %and3A_514 = arith.andi %get3A_505, %and3A_513 : vector<16xi32>
    %mul3A_515 = arith.constant 64 : i32
    %mul3A_516 = vector.broadcast %mul3A_515 : i32 to vector<16xi32>
    %mul3A_517 = arith.muli %add3A_508, %mul3A_516 : vector<16xi32>
    %add3A_518 = arith.addi %mul3A_517, %shift_right_logical3A_511 : vector<16xi32>
    tpu.vector_store_idx %arg5[%add3A_518], %broadcast_in_dim3A_5 : memref<65536xf32, #tpu.memory_space<vmem>>[vector<16xi32>], vector<16xf32>,
    %add3A_519 = arith.addi %mul3A_517, %and3A_514 : vector<16xi32>
    tpu.vector_store_idx %arg5[%add3A_519], %broadcast_in_dim3A_5 : memref<65536xf32, #tpu.memory_space<vmem>>[vector<16xi32>], vector<16xf32>,
    %get3A_520 = arith.constant 512 : index
    %get3A_521 = tpu.vector_load %arg4[%get3A_520] {strides = array<i32>} : memref<1024xi32, #tpu.memory_space<vmem>>, vector<16xi32>,
    %add3A_522 = arith.constant 512 : i32
    %add3A_523 = vector.broadcast %add3A_522 : i32 to vector<16xi32>
    %add3A_524 = arith.addi %add3A_523, %iota3A : vector<16xi32>
    %shift_right_logical3A_525 = arith.constant 6 : i32
    %shift_right_logical3A_526 = vector.broadcast %shift_right_logical3A_525 : i32 to vector<16xi32>
    %shift_right_logical3A_527 = arith.shrui %get3A_521, %shift_right_logical3A_526 : vector<16xi32>
    %and3A_528 = arith.constant 63 : i32
    %and3A_529 = vector.broadcast %and3A_528 : i32 to vector<16xi32>
    %and3A_530 = arith.andi %get3A_521, %and3A_529 : vector<16xi32>
    %mul3A_531 = arith.constant 64 : i32
    %mul3A_532 = vector.broadcast %mul3A_531 : i32 to vector<16xi32>
    %mul3A_533 = arith.muli %add3A_524, %mul3A_532 : vector<16xi32>
    %add3A_534 = arith.addi %mul3A_533, %shift_right_logical3A_527 : vector<16xi32>
    tpu.vector_store_idx %arg5[%add3A_534], %broadcast_in_dim3A_5 : memref<65536xf32, #tpu.memory_space<vmem>>[vector<16xi32>], vector<16xf32>,
    %add3A_535 = arith.addi %mul3A_533, %and3A_530 : vector<16xi32>
    tpu.vector_store_idx %arg5[%add3A_535], %broadcast_in_dim3A_5 : memref<65536xf32, #tpu.memory_space<vmem>>[vector<16xi32>], vector<16xf32>,
    %get3A_536 = arith.constant 528 : index
    %get3A_537 = tpu.vector_load %arg4[%get3A_536] {strides = array<i32>} : memref<1024xi32, #tpu.memory_space<vmem>>, vector<16xi32>,
    %add3A_538 = arith.constant 528 : i32
    %add3A_539 = vector.broadcast %add3A_538 : i32 to vector<16xi32>
    %add3A_540 = arith.addi %add3A_539, %iota3A : vector<16xi32>
    %shift_right_logical3A_541 = arith.constant 6 : i32
    %shift_right_logical3A_542 = vector.broadcast %shift_right_logical3A_541 : i32 to vector<16xi32>
    %shift_right_logical3A_543 = arith.shrui %get3A_537, %shift_right_logical3A_542 : vector<16xi32>
    %and3A_544 = arith.constant 63 : i32
    %and3A_545 = vector.broadcast %and3A_544 : i32 to vector<16xi32>
    %and3A_546 = arith.andi %get3A_537, %and3A_545 : vector<16xi32>
    %mul3A_547 = arith.constant 64 : i32
    %mul3A_548 = vector.broadcast %mul3A_547 : i32 to vector<16xi32>
    %mul3A_549 = arith.muli %add3A_540, %mul3A_548 : vector<16xi32>
    %add3A_550 = arith.addi %mul3A_549, %shift_right_logical3A_543 : vector<16xi32>
    tpu.vector_store_idx %arg5[%add3A_550], %broadcast_in_dim3A_5 : memref<65536xf32, #tpu.memory_space<vmem>>[vector<16xi32>], vector<16xf32>,
    %add3A_551 = arith.addi %mul3A_549, %and3A_546 : vector<16xi32>
    tpu.vector_store_idx %arg5[%add3A_551], %broadcast_in_dim3A_5 : memref<65536xf32, #tpu.memory_space<vmem>>[vector<16xi32>], vector<16xf32>,
    %get3A_552 = arith.constant 544 : index
    %get3A_553 = tpu.vector_load %arg4[%get3A_552] {strides = array<i32>} : memref<1024xi32, #tpu.memory_space<vmem>>, vector<16xi32>,
    %add3A_554 = arith.constant 544 : i32
    %add3A_555 = vector.broadcast %add3A_554 : i32 to vector<16xi32>
    %add3A_556 = arith.addi %add3A_555, %iota3A : vector<16xi32>
    %shift_right_logical3A_557 = arith.constant 6 : i32
    %shift_right_logical3A_558 = vector.broadcast %shift_right_logical3A_557 : i32 to vector<16xi32>
    %shift_right_logical3A_559 = arith.shrui %get3A_553, %shift_right_logical3A_558 : vector<16xi32>
    %and3A_560 = arith.constant 63 : i32
    %and3A_561 = vector.broadcast %and3A_560 : i32 to vector<16xi32>
    %and3A_562 = arith.andi %get3A_553, %and3A_561 : vector<16xi32>
    %mul3A_563 = arith.constant 64 : i32
    %mul3A_564 = vector.broadcast %mul3A_563 : i32 to vector<16xi32>
    %mul3A_565 = arith.muli %add3A_556, %mul3A_564 : vector<16xi32>
    %add3A_566 = arith.addi %mul3A_565, %shift_right_logical3A_559 : vector<16xi32>
    tpu.vector_store_idx %arg5[%add3A_566], %broadcast_in_dim3A_5 : memref<65536xf32, #tpu.memory_space<vmem>>[vector<16xi32>], vector<16xf32>,
    %add3A_567 = arith.addi %mul3A_565, %and3A_562 : vector<16xi32>
    tpu.vector_store_idx %arg5[%add3A_567], %broadcast_in_dim3A_5 : memref<65536xf32, #tpu.memory_space<vmem>>[vector<16xi32>], vector<16xf32>,
    %get3A_568 = arith.constant 560 : index
    %get3A_569 = tpu.vector_load %arg4[%get3A_568] {strides = array<i32>} : memref<1024xi32, #tpu.memory_space<vmem>>, vector<16xi32>,
    %add3A_570 = arith.constant 560 : i32
    %add3A_571 = vector.broadcast %add3A_570 : i32 to vector<16xi32>
    %add3A_572 = arith.addi %add3A_571, %iota3A : vector<16xi32>
    %shift_right_logical3A_573 = arith.constant 6 : i32
    %shift_right_logical3A_574 = vector.broadcast %shift_right_logical3A_573 : i32 to vector<16xi32>
    %shift_right_logical3A_575 = arith.shrui %get3A_569, %shift_right_logical3A_574 : vector<16xi32>
    %and3A_576 = arith.constant 63 : i32
    %and3A_577 = vector.broadcast %and3A_576 : i32 to vector<16xi32>
    %and3A_578 = arith.andi %get3A_569, %and3A_577 : vector<16xi32>
    %mul3A_579 = arith.constant 64 : i32
    %mul3A_580 = vector.broadcast %mul3A_579 : i32 to vector<16xi32>
    %mul3A_581 = arith.muli %add3A_572, %mul3A_580 : vector<16xi32>
    %add3A_582 = arith.addi %mul3A_581, %shift_right_logical3A_575 : vector<16xi32>
    tpu.vector_store_idx %arg5[%add3A_582], %broadcast_in_dim3A_5 : memref<65536xf32, #tpu.memory_space<vmem>>[vector<16xi32>], vector<16xf32>,
    %add3A_583 = arith.addi %mul3A_581, %and3A_578 : vector<16xi32>
    tpu.vector_store_idx %arg5[%add3A_583], %broadcast_in_dim3A_5 : memref<65536xf32, #tpu.memory_space<vmem>>[vector<16xi32>], vector<16xf32>,
    %get3A_584 = arith.constant 576 : index
    %get3A_585 = tpu.vector_load %arg4[%get3A_584] {strides = array<i32>} : memref<1024xi32, #tpu.memory_space<vmem>>, vector<16xi32>,
    %add3A_586 = arith.constant 576 : i32
    %add3A_587 = vector.broadcast %add3A_586 : i32 to vector<16xi32>
    %add3A_588 = arith.addi %add3A_587, %iota3A : vector<16xi32>
    %shift_right_logical3A_589 = arith.constant 6 : i32
    %shift_right_logical3A_590 = vector.broadcast %shift_right_logical3A_589 : i32 to vector<16xi32>
    %shift_right_logical3A_591 = arith.shrui %get3A_585, %shift_right_logical3A_590 : vector<16xi32>
    %and3A_592 = arith.constant 63 : i32
    %and3A_593 = vector.broadcast %and3A_592 : i32 to vector<16xi32>
    %and3A_594 = arith.andi %get3A_585, %and3A_593 : vector<16xi32>
    %mul3A_595 = arith.constant 64 : i32
    %mul3A_596 = vector.broadcast %mul3A_595 : i32 to vector<16xi32>
    %mul3A_597 = arith.muli %add3A_588, %mul3A_596 : vector<16xi32>
    %add3A_598 = arith.addi %mul3A_597, %shift_right_logical3A_591 : vector<16xi32>
    tpu.vector_store_idx %arg5[%add3A_598], %broadcast_in_dim3A_5 : memref<65536xf32, #tpu.memory_space<vmem>>[vector<16xi32>], vector<16xf32>,
    %add3A_599 = arith.addi %mul3A_597, %and3A_594 : vector<16xi32>
    tpu.vector_store_idx %arg5[%add3A_599], %broadcast_in_dim3A_5 : memref<65536xf32, #tpu.memory_space<vmem>>[vector<16xi32>], vector<16xf32>,
    %get3A_600 = arith.constant 592 : index
    %get3A_601 = tpu.vector_load %arg4[%get3A_600] {strides = array<i32>} : memref<1024xi32, #tpu.memory_space<vmem>>, vector<16xi32>,
    %add3A_602 = arith.constant 592 : i32
    %add3A_603 = vector.broadcast %add3A_602 : i32 to vector<16xi32>
    %add3A_604 = arith.addi %add3A_603, %iota3A : vector<16xi32>
    %shift_right_logical3A_605 = arith.constant 6 : i32
    %shift_right_logical3A_606 = vector.broadcast %shift_right_logical3A_605 : i32 to vector<16xi32>
    %shift_right_logical3A_607 = arith.shrui %get3A_601, %shift_right_logical3A_606 : vector<16xi32>
    %and3A_608 = arith.constant 63 : i32
    %and3A_609 = vector.broadcast %and3A_608 : i32 to vector<16xi32>
    %and3A_610 = arith.andi %get3A_601, %and3A_609 : vector<16xi32>
    %mul3A_611 = arith.constant 64 : i32
    %mul3A_612 = vector.broadcast %mul3A_611 : i32 to vector<16xi32>
    %mul3A_613 = arith.muli %add3A_604, %mul3A_612 : vector<16xi32>
    %add3A_614 = arith.addi %mul3A_613, %shift_right_logical3A_607 : vector<16xi32>
    tpu.vector_store_idx %arg5[%add3A_614], %broadcast_in_dim3A_5 : memref<65536xf32, #tpu.memory_space<vmem>>[vector<16xi32>], vector<16xf32>,
    %add3A_615 = arith.addi %mul3A_613, %and3A_610 : vector<16xi32>
    tpu.vector_store_idx %arg5[%add3A_615], %broadcast_in_dim3A_5 : memref<65536xf32, #tpu.memory_space<vmem>>[vector<16xi32>], vector<16xf32>,
    %get3A_616 = arith.constant 608 : index
    %get3A_617 = tpu.vector_load %arg4[%get3A_616] {strides = array<i32>} : memref<1024xi32, #tpu.memory_space<vmem>>, vector<16xi32>,
    %add3A_618 = arith.constant 608 : i32
    %add3A_619 = vector.broadcast %add3A_618 : i32 to vector<16xi32>
    %add3A_620 = arith.addi %add3A_619, %iota3A : vector<16xi32>
    %shift_right_logical3A_621 = arith.constant 6 : i32
    %shift_right_logical3A_622 = vector.broadcast %shift_right_logical3A_621 : i32 to vector<16xi32>
    %shift_right_logical3A_623 = arith.shrui %get3A_617, %shift_right_logical3A_622 : vector<16xi32>
    %and3A_624 = arith.constant 63 : i32
    %and3A_625 = vector.broadcast %and3A_624 : i32 to vector<16xi32>
    %and3A_626 = arith.andi %get3A_617, %and3A_625 : vector<16xi32>
    %mul3A_627 = arith.constant 64 : i32
    %mul3A_628 = vector.broadcast %mul3A_627 : i32 to vector<16xi32>
    %mul3A_629 = arith.muli %add3A_620, %mul3A_628 : vector<16xi32>
    %add3A_630 = arith.addi %mul3A_629, %shift_right_logical3A_623 : vector<16xi32>
    tpu.vector_store_idx %arg5[%add3A_630], %broadcast_in_dim3A_5 : memref<65536xf32, #tpu.memory_space<vmem>>[vector<16xi32>], vector<16xf32>,
    %add3A_631 = arith.addi %mul3A_629, %and3A_626 : vector<16xi32>
    tpu.vector_store_idx %arg5[%add3A_631], %broadcast_in_dim3A_5 : memref<65536xf32, #tpu.memory_space<vmem>>[vector<16xi32>], vector<16xf32>,
    %get3A_632 = arith.constant 624 : index
    %get3A_633 = tpu.vector_load %arg4[%get3A_632] {strides = array<i32>} : memref<1024xi32, #tpu.memory_space<vmem>>, vector<16xi32>,
    %add3A_634 = arith.constant 624 : i32
    %add3A_635 = vector.broadcast %add3A_634 : i32 to vector<16xi32>
    %add3A_636 = arith.addi %add3A_635, %iota3A : vector<16xi32>
    %shift_right_logical3A_637 = arith.constant 6 : i32
    %shift_right_logical3A_638 = vector.broadcast %shift_right_logical3A_637 : i32 to vector<16xi32>
    %shift_right_logical3A_639 = arith.shrui %get3A_633, %shift_right_logical3A_638 : vector<16xi32>
    %and3A_640 = arith.constant 63 : i32
    %and3A_641 = vector.broadcast %and3A_640 : i32 to vector<16xi32>
    %and3A_642 = arith.andi %get3A_633, %and3A_641 : vector<16xi32>
    %mul3A_643 = arith.constant 64 : i32
    %mul3A_644 = vector.broadcast %mul3A_643 : i32 to vector<16xi32>
    %mul3A_645 = arith.muli %add3A_636, %mul3A_644 : vector<16xi32>
    %add3A_646 = arith.addi %mul3A_645, %shift_right_logical3A_639 : vector<16xi32>
    tpu.vector_store_idx %arg5[%add3A_646], %broadcast_in_dim3A_5 : memref<65536xf32, #tpu.memory_space<vmem>>[vector<16xi32>], vector<16xf32>,
    %add3A_647 = arith.addi %mul3A_645, %and3A_642 : vector<16xi32>
    tpu.vector_store_idx %arg5[%add3A_647], %broadcast_in_dim3A_5 : memref<65536xf32, #tpu.memory_space<vmem>>[vector<16xi32>], vector<16xf32>,
    %get3A_648 = arith.constant 640 : index
    %get3A_649 = tpu.vector_load %arg4[%get3A_648] {strides = array<i32>} : memref<1024xi32, #tpu.memory_space<vmem>>, vector<16xi32>,
    %add3A_650 = arith.constant 640 : i32
    %add3A_651 = vector.broadcast %add3A_650 : i32 to vector<16xi32>
    %add3A_652 = arith.addi %add3A_651, %iota3A : vector<16xi32>
    %shift_right_logical3A_653 = arith.constant 6 : i32
    %shift_right_logical3A_654 = vector.broadcast %shift_right_logical3A_653 : i32 to vector<16xi32>
    %shift_right_logical3A_655 = arith.shrui %get3A_649, %shift_right_logical3A_654 : vector<16xi32>
    %and3A_656 = arith.constant 63 : i32
    %and3A_657 = vector.broadcast %and3A_656 : i32 to vector<16xi32>
    %and3A_658 = arith.andi %get3A_649, %and3A_657 : vector<16xi32>
    %mul3A_659 = arith.constant 64 : i32
    %mul3A_660 = vector.broadcast %mul3A_659 : i32 to vector<16xi32>
    %mul3A_661 = arith.muli %add3A_652, %mul3A_660 : vector<16xi32>
    %add3A_662 = arith.addi %mul3A_661, %shift_right_logical3A_655 : vector<16xi32>
    tpu.vector_store_idx %arg5[%add3A_662], %broadcast_in_dim3A_5 : memref<65536xf32, #tpu.memory_space<vmem>>[vector<16xi32>], vector<16xf32>,
    %add3A_663 = arith.addi %mul3A_661, %and3A_658 : vector<16xi32>
    tpu.vector_store_idx %arg5[%add3A_663], %broadcast_in_dim3A_5 : memref<65536xf32, #tpu.memory_space<vmem>>[vector<16xi32>], vector<16xf32>,
    %get3A_664 = arith.constant 656 : index
    %get3A_665 = tpu.vector_load %arg4[%get3A_664] {strides = array<i32>} : memref<1024xi32, #tpu.memory_space<vmem>>, vector<16xi32>,
    %add3A_666 = arith.constant 656 : i32
    %add3A_667 = vector.broadcast %add3A_666 : i32 to vector<16xi32>
    %add3A_668 = arith.addi %add3A_667, %iota3A : vector<16xi32>
    %shift_right_logical3A_669 = arith.constant 6 : i32
    %shift_right_logical3A_670 = vector.broadcast %shift_right_logical3A_669 : i32 to vector<16xi32>
    %shift_right_logical3A_671 = arith.shrui %get3A_665, %shift_right_logical3A_670 : vector<16xi32>
    %and3A_672 = arith.constant 63 : i32
    %and3A_673 = vector.broadcast %and3A_672 : i32 to vector<16xi32>
    %and3A_674 = arith.andi %get3A_665, %and3A_673 : vector<16xi32>
    %mul3A_675 = arith.constant 64 : i32
    %mul3A_676 = vector.broadcast %mul3A_675 : i32 to vector<16xi32>
    %mul3A_677 = arith.muli %add3A_668, %mul3A_676 : vector<16xi32>
    %add3A_678 = arith.addi %mul3A_677, %shift_right_logical3A_671 : vector<16xi32>
    tpu.vector_store_idx %arg5[%add3A_678], %broadcast_in_dim3A_5 : memref<65536xf32, #tpu.memory_space<vmem>>[vector<16xi32>], vector<16xf32>,
    %add3A_679 = arith.addi %mul3A_677, %and3A_674 : vector<16xi32>
    tpu.vector_store_idx %arg5[%add3A_679], %broadcast_in_dim3A_5 : memref<65536xf32, #tpu.memory_space<vmem>>[vector<16xi32>], vector<16xf32>,
    %get3A_680 = arith.constant 672 : index
    %get3A_681 = tpu.vector_load %arg4[%get3A_680] {strides = array<i32>} : memref<1024xi32, #tpu.memory_space<vmem>>, vector<16xi32>,
    %add3A_682 = arith.constant 672 : i32
    %add3A_683 = vector.broadcast %add3A_682 : i32 to vector<16xi32>
    %add3A_684 = arith.addi %add3A_683, %iota3A : vector<16xi32>
    %shift_right_logical3A_685 = arith.constant 6 : i32
    %shift_right_logical3A_686 = vector.broadcast %shift_right_logical3A_685 : i32 to vector<16xi32>
    %shift_right_logical3A_687 = arith.shrui %get3A_681, %shift_right_logical3A_686 : vector<16xi32>
    %and3A_688 = arith.constant 63 : i32
    %and3A_689 = vector.broadcast %and3A_688 : i32 to vector<16xi32>
    %and3A_690 = arith.andi %get3A_681, %and3A_689 : vector<16xi32>
    %mul3A_691 = arith.constant 64 : i32
    %mul3A_692 = vector.broadcast %mul3A_691 : i32 to vector<16xi32>
    %mul3A_693 = arith.muli %add3A_684, %mul3A_692 : vector<16xi32>
    %add3A_694 = arith.addi %mul3A_693, %shift_right_logical3A_687 : vector<16xi32>
    tpu.vector_store_idx %arg5[%add3A_694], %broadcast_in_dim3A_5 : memref<65536xf32, #tpu.memory_space<vmem>>[vector<16xi32>], vector<16xf32>,
    %add3A_695 = arith.addi %mul3A_693, %and3A_690 : vector<16xi32>
    tpu.vector_store_idx %arg5[%add3A_695], %broadcast_in_dim3A_5 : memref<65536xf32, #tpu.memory_space<vmem>>[vector<16xi32>], vector<16xf32>,
    %get3A_696 = arith.constant 688 : index
    %get3A_697 = tpu.vector_load %arg4[%get3A_696] {strides = array<i32>} : memref<1024xi32, #tpu.memory_space<vmem>>, vector<16xi32>,
    %add3A_698 = arith.constant 688 : i32
    %add3A_699 = vector.broadcast %add3A_698 : i32 to vector<16xi32>
    %add3A_700 = arith.addi %add3A_699, %iota3A : vector<16xi32>
    %shift_right_logical3A_701 = arith.constant 6 : i32
    %shift_right_logical3A_702 = vector.broadcast %shift_right_logical3A_701 : i32 to vector<16xi32>
    %shift_right_logical3A_703 = arith.shrui %get3A_697, %shift_right_logical3A_702 : vector<16xi32>
    %and3A_704 = arith.constant 63 : i32
    %and3A_705 = vector.broadcast %and3A_704 : i32 to vector<16xi32>
    %and3A_706 = arith.andi %get3A_697, %and3A_705 : vector<16xi32>
    %mul3A_707 = arith.constant 64 : i32
    %mul3A_708 = vector.broadcast %mul3A_707 : i32 to vector<16xi32>
    %mul3A_709 = arith.muli %add3A_700, %mul3A_708 : vector<16xi32>
    %add3A_710 = arith.addi %mul3A_709, %shift_right_logical3A_703 : vector<16xi32>
    tpu.vector_store_idx %arg5[%add3A_710], %broadcast_in_dim3A_5 : memref<65536xf32, #tpu.memory_space<vmem>>[vector<16xi32>], vector<16xf32>,
    %add3A_711 = arith.addi %mul3A_709, %and3A_706 : vector<16xi32>
    tpu.vector_store_idx %arg5[%add3A_711], %broadcast_in_dim3A_5 : memref<65536xf32, #tpu.memory_space<vmem>>[vector<16xi32>], vector<16xf32>,
    %get3A_712 = arith.constant 704 : index
    %get3A_713 = tpu.vector_load %arg4[%get3A_712] {strides = array<i32>} : memref<1024xi32, #tpu.memory_space<vmem>>, vector<16xi32>,
    %add3A_714 = arith.constant 704 : i32
    %add3A_715 = vector.broadcast %add3A_714 : i32 to vector<16xi32>
    %add3A_716 = arith.addi %add3A_715, %iota3A : vector<16xi32>
    %shift_right_logical3A_717 = arith.constant 6 : i32
    %shift_right_logical3A_718 = vector.broadcast %shift_right_logical3A_717 : i32 to vector<16xi32>
    %shift_right_logical3A_719 = arith.shrui %get3A_713, %shift_right_logical3A_718 : vector<16xi32>
    %and3A_720 = arith.constant 63 : i32
    %and3A_721 = vector.broadcast %and3A_720 : i32 to vector<16xi32>
    %and3A_722 = arith.andi %get3A_713, %and3A_721 : vector<16xi32>
    %mul3A_723 = arith.constant 64 : i32
    %mul3A_724 = vector.broadcast %mul3A_723 : i32 to vector<16xi32>
    %mul3A_725 = arith.muli %add3A_716, %mul3A_724 : vector<16xi32>
    %add3A_726 = arith.addi %mul3A_725, %shift_right_logical3A_719 : vector<16xi32>
    tpu.vector_store_idx %arg5[%add3A_726], %broadcast_in_dim3A_5 : memref<65536xf32, #tpu.memory_space<vmem>>[vector<16xi32>], vector<16xf32>,
    %add3A_727 = arith.addi %mul3A_725, %and3A_722 : vector<16xi32>
    tpu.vector_store_idx %arg5[%add3A_727], %broadcast_in_dim3A_5 : memref<65536xf32, #tpu.memory_space<vmem>>[vector<16xi32>], vector<16xf32>,
    %get3A_728 = arith.constant 720 : index
    %get3A_729 = tpu.vector_load %arg4[%get3A_728] {strides = array<i32>} : memref<1024xi32, #tpu.memory_space<vmem>>, vector<16xi32>,
    %add3A_730 = arith.constant 720 : i32
    %add3A_731 = vector.broadcast %add3A_730 : i32 to vector<16xi32>
    %add3A_732 = arith.addi %add3A_731, %iota3A : vector<16xi32>
    %shift_right_logical3A_733 = arith.constant 6 : i32
    %shift_right_logical3A_734 = vector.broadcast %shift_right_logical3A_733 : i32 to vector<16xi32>
    %shift_right_logical3A_735 = arith.shrui %get3A_729, %shift_right_logical3A_734 : vector<16xi32>
    %and3A_736 = arith.constant 63 : i32
    %and3A_737 = vector.broadcast %and3A_736 : i32 to vector<16xi32>
    %and3A_738 = arith.andi %get3A_729, %and3A_737 : vector<16xi32>
    %mul3A_739 = arith.constant 64 : i32
    %mul3A_740 = vector.broadcast %mul3A_739 : i32 to vector<16xi32>
    %mul3A_741 = arith.muli %add3A_732, %mul3A_740 : vector<16xi32>
    %add3A_742 = arith.addi %mul3A_741, %shift_right_logical3A_735 : vector<16xi32>
    tpu.vector_store_idx %arg5[%add3A_742], %broadcast_in_dim3A_5 : memref<65536xf32, #tpu.memory_space<vmem>>[vector<16xi32>], vector<16xf32>,
    %add3A_743 = arith.addi %mul3A_741, %and3A_738 : vector<16xi32>
    tpu.vector_store_idx %arg5[%add3A_743], %broadcast_in_dim3A_5 : memref<65536xf32, #tpu.memory_space<vmem>>[vector<16xi32>], vector<16xf32>,
    %get3A_744 = arith.constant 736 : index
    %get3A_745 = tpu.vector_load %arg4[%get3A_744] {strides = array<i32>} : memref<1024xi32, #tpu.memory_space<vmem>>, vector<16xi32>,
    %add3A_746 = arith.constant 736 : i32
    %add3A_747 = vector.broadcast %add3A_746 : i32 to vector<16xi32>
    %add3A_748 = arith.addi %add3A_747, %iota3A : vector<16xi32>
    %shift_right_logical3A_749 = arith.constant 6 : i32
    %shift_right_logical3A_750 = vector.broadcast %shift_right_logical3A_749 : i32 to vector<16xi32>
    %shift_right_logical3A_751 = arith.shrui %get3A_745, %shift_right_logical3A_750 : vector<16xi32>
    %and3A_752 = arith.constant 63 : i32
    %and3A_753 = vector.broadcast %and3A_752 : i32 to vector<16xi32>
    %and3A_754 = arith.andi %get3A_745, %and3A_753 : vector<16xi32>
    %mul3A_755 = arith.constant 64 : i32
    %mul3A_756 = vector.broadcast %mul3A_755 : i32 to vector<16xi32>
    %mul3A_757 = arith.muli %add3A_748, %mul3A_756 : vector<16xi32>
    %add3A_758 = arith.addi %mul3A_757, %shift_right_logical3A_751 : vector<16xi32>
    tpu.vector_store_idx %arg5[%add3A_758], %broadcast_in_dim3A_5 : memref<65536xf32, #tpu.memory_space<vmem>>[vector<16xi32>], vector<16xf32>,
    %add3A_759 = arith.addi %mul3A_757, %and3A_754 : vector<16xi32>
    tpu.vector_store_idx %arg5[%add3A_759], %broadcast_in_dim3A_5 : memref<65536xf32, #tpu.memory_space<vmem>>[vector<16xi32>], vector<16xf32>,
    %get3A_760 = arith.constant 752 : index
    %get3A_761 = tpu.vector_load %arg4[%get3A_760] {strides = array<i32>} : memref<1024xi32, #tpu.memory_space<vmem>>, vector<16xi32>,
    %add3A_762 = arith.constant 752 : i32
    %add3A_763 = vector.broadcast %add3A_762 : i32 to vector<16xi32>
    %add3A_764 = arith.addi %add3A_763, %iota3A : vector<16xi32>
    %shift_right_logical3A_765 = arith.constant 6 : i32
    %shift_right_logical3A_766 = vector.broadcast %shift_right_logical3A_765 : i32 to vector<16xi32>
    %shift_right_logical3A_767 = arith.shrui %get3A_761, %shift_right_logical3A_766 : vector<16xi32>
    %and3A_768 = arith.constant 63 : i32
    %and3A_769 = vector.broadcast %and3A_768 : i32 to vector<16xi32>
    %and3A_770 = arith.andi %get3A_761, %and3A_769 : vector<16xi32>
    %mul3A_771 = arith.constant 64 : i32
    %mul3A_772 = vector.broadcast %mul3A_771 : i32 to vector<16xi32>
    %mul3A_773 = arith.muli %add3A_764, %mul3A_772 : vector<16xi32>
    %add3A_774 = arith.addi %mul3A_773, %shift_right_logical3A_767 : vector<16xi32>
    tpu.vector_store_idx %arg5[%add3A_774], %broadcast_in_dim3A_5 : memref<65536xf32, #tpu.memory_space<vmem>>[vector<16xi32>], vector<16xf32>,
    %add3A_775 = arith.addi %mul3A_773, %and3A_770 : vector<16xi32>
    tpu.vector_store_idx %arg5[%add3A_775], %broadcast_in_dim3A_5 : memref<65536xf32, #tpu.memory_space<vmem>>[vector<16xi32>], vector<16xf32>,
    %get3A_776 = arith.constant 768 : index
    %get3A_777 = tpu.vector_load %arg4[%get3A_776] {strides = array<i32>} : memref<1024xi32, #tpu.memory_space<vmem>>, vector<16xi32>,
    %add3A_778 = arith.constant 768 : i32
    %add3A_779 = vector.broadcast %add3A_778 : i32 to vector<16xi32>
    %add3A_780 = arith.addi %add3A_779, %iota3A : vector<16xi32>
    %shift_right_logical3A_781 = arith.constant 6 : i32
    %shift_right_logical3A_782 = vector.broadcast %shift_right_logical3A_781 : i32 to vector<16xi32>
    %shift_right_logical3A_783 = arith.shrui %get3A_777, %shift_right_logical3A_782 : vector<16xi32>
    %and3A_784 = arith.constant 63 : i32
    %and3A_785 = vector.broadcast %and3A_784 : i32 to vector<16xi32>
    %and3A_786 = arith.andi %get3A_777, %and3A_785 : vector<16xi32>
    %mul3A_787 = arith.constant 64 : i32
    %mul3A_788 = vector.broadcast %mul3A_787 : i32 to vector<16xi32>
    %mul3A_789 = arith.muli %add3A_780, %mul3A_788 : vector<16xi32>
    %add3A_790 = arith.addi %mul3A_789, %shift_right_logical3A_783 : vector<16xi32>
    tpu.vector_store_idx %arg5[%add3A_790], %broadcast_in_dim3A_5 : memref<65536xf32, #tpu.memory_space<vmem>>[vector<16xi32>], vector<16xf32>,
    %add3A_791 = arith.addi %mul3A_789, %and3A_786 : vector<16xi32>
    tpu.vector_store_idx %arg5[%add3A_791], %broadcast_in_dim3A_5 : memref<65536xf32, #tpu.memory_space<vmem>>[vector<16xi32>], vector<16xf32>,
    %get3A_792 = arith.constant 784 : index
    %get3A_793 = tpu.vector_load %arg4[%get3A_792] {strides = array<i32>} : memref<1024xi32, #tpu.memory_space<vmem>>, vector<16xi32>,
    %add3A_794 = arith.constant 784 : i32
    %add3A_795 = vector.broadcast %add3A_794 : i32 to vector<16xi32>
    %add3A_796 = arith.addi %add3A_795, %iota3A : vector<16xi32>
    %shift_right_logical3A_797 = arith.constant 6 : i32
    %shift_right_logical3A_798 = vector.broadcast %shift_right_logical3A_797 : i32 to vector<16xi32>
    %shift_right_logical3A_799 = arith.shrui %get3A_793, %shift_right_logical3A_798 : vector<16xi32>
    %and3A_800 = arith.constant 63 : i32
    %and3A_801 = vector.broadcast %and3A_800 : i32 to vector<16xi32>
    %and3A_802 = arith.andi %get3A_793, %and3A_801 : vector<16xi32>
    %mul3A_803 = arith.constant 64 : i32
    %mul3A_804 = vector.broadcast %mul3A_803 : i32 to vector<16xi32>
    %mul3A_805 = arith.muli %add3A_796, %mul3A_804 : vector<16xi32>
    %add3A_806 = arith.addi %mul3A_805, %shift_right_logical3A_799 : vector<16xi32>
    tpu.vector_store_idx %arg5[%add3A_806], %broadcast_in_dim3A_5 : memref<65536xf32, #tpu.memory_space<vmem>>[vector<16xi32>], vector<16xf32>,
    %add3A_807 = arith.addi %mul3A_805, %and3A_802 : vector<16xi32>
    tpu.vector_store_idx %arg5[%add3A_807], %broadcast_in_dim3A_5 : memref<65536xf32, #tpu.memory_space<vmem>>[vector<16xi32>], vector<16xf32>,
    %get3A_808 = arith.constant 800 : index
    %get3A_809 = tpu.vector_load %arg4[%get3A_808] {strides = array<i32>} : memref<1024xi32, #tpu.memory_space<vmem>>, vector<16xi32>,
    %add3A_810 = arith.constant 800 : i32
    %add3A_811 = vector.broadcast %add3A_810 : i32 to vector<16xi32>
    %add3A_812 = arith.addi %add3A_811, %iota3A : vector<16xi32>
    %shift_right_logical3A_813 = arith.constant 6 : i32
    %shift_right_logical3A_814 = vector.broadcast %shift_right_logical3A_813 : i32 to vector<16xi32>
    %shift_right_logical3A_815 = arith.shrui %get3A_809, %shift_right_logical3A_814 : vector<16xi32>
    %and3A_816 = arith.constant 63 : i32
    %and3A_817 = vector.broadcast %and3A_816 : i32 to vector<16xi32>
    %and3A_818 = arith.andi %get3A_809, %and3A_817 : vector<16xi32>
    %mul3A_819 = arith.constant 64 : i32
    %mul3A_820 = vector.broadcast %mul3A_819 : i32 to vector<16xi32>
    %mul3A_821 = arith.muli %add3A_812, %mul3A_820 : vector<16xi32>
    %add3A_822 = arith.addi %mul3A_821, %shift_right_logical3A_815 : vector<16xi32>
    tpu.vector_store_idx %arg5[%add3A_822], %broadcast_in_dim3A_5 : memref<65536xf32, #tpu.memory_space<vmem>>[vector<16xi32>], vector<16xf32>,
    %add3A_823 = arith.addi %mul3A_821, %and3A_818 : vector<16xi32>
    tpu.vector_store_idx %arg5[%add3A_823], %broadcast_in_dim3A_5 : memref<65536xf32, #tpu.memory_space<vmem>>[vector<16xi32>], vector<16xf32>,
    %get3A_824 = arith.constant 816 : index
    %get3A_825 = tpu.vector_load %arg4[%get3A_824] {strides = array<i32>} : memref<1024xi32, #tpu.memory_space<vmem>>, vector<16xi32>,
    %add3A_826 = arith.constant 816 : i32
    %add3A_827 = vector.broadcast %add3A_826 : i32 to vector<16xi32>
    %add3A_828 = arith.addi %add3A_827, %iota3A : vector<16xi32>
    %shift_right_logical3A_829 = arith.constant 6 : i32
    %shift_right_logical3A_830 = vector.broadcast %shift_right_logical3A_829 : i32 to vector<16xi32>
    %shift_right_logical3A_831 = arith.shrui %get3A_825, %shift_right_logical3A_830 : vector<16xi32>
    %and3A_832 = arith.constant 63 : i32
    %and3A_833 = vector.broadcast %and3A_832 : i32 to vector<16xi32>
    %and3A_834 = arith.andi %get3A_825, %and3A_833 : vector<16xi32>
    %mul3A_835 = arith.constant 64 : i32
    %mul3A_836 = vector.broadcast %mul3A_835 : i32 to vector<16xi32>
    %mul3A_837 = arith.muli %add3A_828, %mul3A_836 : vector<16xi32>
    %add3A_838 = arith.addi %mul3A_837, %shift_right_logical3A_831 : vector<16xi32>
    tpu.vector_store_idx %arg5[%add3A_838], %broadcast_in_dim3A_5 : memref<65536xf32, #tpu.memory_space<vmem>>[vector<16xi32>], vector<16xf32>,
    %add3A_839 = arith.addi %mul3A_837, %and3A_834 : vector<16xi32>
    tpu.vector_store_idx %arg5[%add3A_839], %broadcast_in_dim3A_5 : memref<65536xf32, #tpu.memory_space<vmem>>[vector<16xi32>], vector<16xf32>,
    %get3A_840 = arith.constant 832 : index
    %get3A_841 = tpu.vector_load %arg4[%get3A_840] {strides = array<i32>} : memref<1024xi32, #tpu.memory_space<vmem>>, vector<16xi32>,
    %add3A_842 = arith.constant 832 : i32
    %add3A_843 = vector.broadcast %add3A_842 : i32 to vector<16xi32>
    %add3A_844 = arith.addi %add3A_843, %iota3A : vector<16xi32>
    %shift_right_logical3A_845 = arith.constant 6 : i32
    %shift_right_logical3A_846 = vector.broadcast %shift_right_logical3A_845 : i32 to vector<16xi32>
    %shift_right_logical3A_847 = arith.shrui %get3A_841, %shift_right_logical3A_846 : vector<16xi32>
    %and3A_848 = arith.constant 63 : i32
    %and3A_849 = vector.broadcast %and3A_848 : i32 to vector<16xi32>
    %and3A_850 = arith.andi %get3A_841, %and3A_849 : vector<16xi32>
    %mul3A_851 = arith.constant 64 : i32
    %mul3A_852 = vector.broadcast %mul3A_851 : i32 to vector<16xi32>
    %mul3A_853 = arith.muli %add3A_844, %mul3A_852 : vector<16xi32>
    %add3A_854 = arith.addi %mul3A_853, %shift_right_logical3A_847 : vector<16xi32>
    tpu.vector_store_idx %arg5[%add3A_854], %broadcast_in_dim3A_5 : memref<65536xf32, #tpu.memory_space<vmem>>[vector<16xi32>], vector<16xf32>,
    %add3A_855 = arith.addi %mul3A_853, %and3A_850 : vector<16xi32>
    tpu.vector_store_idx %arg5[%add3A_855], %broadcast_in_dim3A_5 : memref<65536xf32, #tpu.memory_space<vmem>>[vector<16xi32>], vector<16xf32>,
    %get3A_856 = arith.constant 848 : index
    %get3A_857 = tpu.vector_load %arg4[%get3A_856] {strides = array<i32>} : memref<1024xi32, #tpu.memory_space<vmem>>, vector<16xi32>,
    %add3A_858 = arith.constant 848 : i32
    %add3A_859 = vector.broadcast %add3A_858 : i32 to vector<16xi32>
    %add3A_860 = arith.addi %add3A_859, %iota3A : vector<16xi32>
    %shift_right_logical3A_861 = arith.constant 6 : i32
    %shift_right_logical3A_862 = vector.broadcast %shift_right_logical3A_861 : i32 to vector<16xi32>
    %shift_right_logical3A_863 = arith.shrui %get3A_857, %shift_right_logical3A_862 : vector<16xi32>
    %and3A_864 = arith.constant 63 : i32
    %and3A_865 = vector.broadcast %and3A_864 : i32 to vector<16xi32>
    %and3A_866 = arith.andi %get3A_857, %and3A_865 : vector<16xi32>
    %mul3A_867 = arith.constant 64 : i32
    %mul3A_868 = vector.broadcast %mul3A_867 : i32 to vector<16xi32>
    %mul3A_869 = arith.muli %add3A_860, %mul3A_868 : vector<16xi32>
    %add3A_870 = arith.addi %mul3A_869, %shift_right_logical3A_863 : vector<16xi32>
    tpu.vector_store_idx %arg5[%add3A_870], %broadcast_in_dim3A_5 : memref<65536xf32, #tpu.memory_space<vmem>>[vector<16xi32>], vector<16xf32>,
    %add3A_871 = arith.addi %mul3A_869, %and3A_866 : vector<16xi32>
    tpu.vector_store_idx %arg5[%add3A_871], %broadcast_in_dim3A_5 : memref<65536xf32, #tpu.memory_space<vmem>>[vector<16xi32>], vector<16xf32>,
    %get3A_872 = arith.constant 864 : index
    %get3A_873 = tpu.vector_load %arg4[%get3A_872] {strides = array<i32>} : memref<1024xi32, #tpu.memory_space<vmem>>, vector<16xi32>,
    %add3A_874 = arith.constant 864 : i32
    %add3A_875 = vector.broadcast %add3A_874 : i32 to vector<16xi32>
    %add3A_876 = arith.addi %add3A_875, %iota3A : vector<16xi32>
    %shift_right_logical3A_877 = arith.constant 6 : i32
    %shift_right_logical3A_878 = vector.broadcast %shift_right_logical3A_877 : i32 to vector<16xi32>
    %shift_right_logical3A_879 = arith.shrui %get3A_873, %shift_right_logical3A_878 : vector<16xi32>
    %and3A_880 = arith.constant 63 : i32
    %and3A_881 = vector.broadcast %and3A_880 : i32 to vector<16xi32>
    %and3A_882 = arith.andi %get3A_873, %and3A_881 : vector<16xi32>
    %mul3A_883 = arith.constant 64 : i32
    %mul3A_884 = vector.broadcast %mul3A_883 : i32 to vector<16xi32>
    %mul3A_885 = arith.muli %add3A_876, %mul3A_884 : vector<16xi32>
    %add3A_886 = arith.addi %mul3A_885, %shift_right_logical3A_879 : vector<16xi32>
    tpu.vector_store_idx %arg5[%add3A_886], %broadcast_in_dim3A_5 : memref<65536xf32, #tpu.memory_space<vmem>>[vector<16xi32>], vector<16xf32>,
    %add3A_887 = arith.addi %mul3A_885, %and3A_882 : vector<16xi32>
    tpu.vector_store_idx %arg5[%add3A_887], %broadcast_in_dim3A_5 : memref<65536xf32, #tpu.memory_space<vmem>>[vector<16xi32>], vector<16xf32>,
    %get3A_888 = arith.constant 880 : index
    %get3A_889 = tpu.vector_load %arg4[%get3A_888] {strides = array<i32>} : memref<1024xi32, #tpu.memory_space<vmem>>, vector<16xi32>,
    %add3A_890 = arith.constant 880 : i32
    %add3A_891 = vector.broadcast %add3A_890 : i32 to vector<16xi32>
    %add3A_892 = arith.addi %add3A_891, %iota3A : vector<16xi32>
    %shift_right_logical3A_893 = arith.constant 6 : i32
    %shift_right_logical3A_894 = vector.broadcast %shift_right_logical3A_893 : i32 to vector<16xi32>
    %shift_right_logical3A_895 = arith.shrui %get3A_889, %shift_right_logical3A_894 : vector<16xi32>
    %and3A_896 = arith.constant 63 : i32
    %and3A_897 = vector.broadcast %and3A_896 : i32 to vector<16xi32>
    %and3A_898 = arith.andi %get3A_889, %and3A_897 : vector<16xi32>
    %mul3A_899 = arith.constant 64 : i32
    %mul3A_900 = vector.broadcast %mul3A_899 : i32 to vector<16xi32>
    %mul3A_901 = arith.muli %add3A_892, %mul3A_900 : vector<16xi32>
    %add3A_902 = arith.addi %mul3A_901, %shift_right_logical3A_895 : vector<16xi32>
    tpu.vector_store_idx %arg5[%add3A_902], %broadcast_in_dim3A_5 : memref<65536xf32, #tpu.memory_space<vmem>>[vector<16xi32>], vector<16xf32>,
    %add3A_903 = arith.addi %mul3A_901, %and3A_898 : vector<16xi32>
    tpu.vector_store_idx %arg5[%add3A_903], %broadcast_in_dim3A_5 : memref<65536xf32, #tpu.memory_space<vmem>>[vector<16xi32>], vector<16xf32>,
    %get3A_904 = arith.constant 896 : index
    %get3A_905 = tpu.vector_load %arg4[%get3A_904] {strides = array<i32>} : memref<1024xi32, #tpu.memory_space<vmem>>, vector<16xi32>,
    %add3A_906 = arith.constant 896 : i32
    %add3A_907 = vector.broadcast %add3A_906 : i32 to vector<16xi32>
    %add3A_908 = arith.addi %add3A_907, %iota3A : vector<16xi32>
    %shift_right_logical3A_909 = arith.constant 6 : i32
    %shift_right_logical3A_910 = vector.broadcast %shift_right_logical3A_909 : i32 to vector<16xi32>
    %shift_right_logical3A_911 = arith.shrui %get3A_905, %shift_right_logical3A_910 : vector<16xi32>
    %and3A_912 = arith.constant 63 : i32
    %and3A_913 = vector.broadcast %and3A_912 : i32 to vector<16xi32>
    %and3A_914 = arith.andi %get3A_905, %and3A_913 : vector<16xi32>
    %mul3A_915 = arith.constant 64 : i32
    %mul3A_916 = vector.broadcast %mul3A_915 : i32 to vector<16xi32>
    %mul3A_917 = arith.muli %add3A_908, %mul3A_916 : vector<16xi32>
    %add3A_918 = arith.addi %mul3A_917, %shift_right_logical3A_911 : vector<16xi32>
    tpu.vector_store_idx %arg5[%add3A_918], %broadcast_in_dim3A_5 : memref<65536xf32, #tpu.memory_space<vmem>>[vector<16xi32>], vector<16xf32>,
    %add3A_919 = arith.addi %mul3A_917, %and3A_914 : vector<16xi32>
    tpu.vector_store_idx %arg5[%add3A_919], %broadcast_in_dim3A_5 : memref<65536xf32, #tpu.memory_space<vmem>>[vector<16xi32>], vector<16xf32>,
    %get3A_920 = arith.constant 912 : index
    %get3A_921 = tpu.vector_load %arg4[%get3A_920] {strides = array<i32>} : memref<1024xi32, #tpu.memory_space<vmem>>, vector<16xi32>,
    %add3A_922 = arith.constant 912 : i32
    %add3A_923 = vector.broadcast %add3A_922 : i32 to vector<16xi32>
    %add3A_924 = arith.addi %add3A_923, %iota3A : vector<16xi32>
    %shift_right_logical3A_925 = arith.constant 6 : i32
    %shift_right_logical3A_926 = vector.broadcast %shift_right_logical3A_925 : i32 to vector<16xi32>
    %shift_right_logical3A_927 = arith.shrui %get3A_921, %shift_right_logical3A_926 : vector<16xi32>
    %and3A_928 = arith.constant 63 : i32
    %and3A_929 = vector.broadcast %and3A_928 : i32 to vector<16xi32>
    %and3A_930 = arith.andi %get3A_921, %and3A_929 : vector<16xi32>
    %mul3A_931 = arith.constant 64 : i32
    %mul3A_932 = vector.broadcast %mul3A_931 : i32 to vector<16xi32>
    %mul3A_933 = arith.muli %add3A_924, %mul3A_932 : vector<16xi32>
    %add3A_934 = arith.addi %mul3A_933, %shift_right_logical3A_927 : vector<16xi32>
    tpu.vector_store_idx %arg5[%add3A_934], %broadcast_in_dim3A_5 : memref<65536xf32, #tpu.memory_space<vmem>>[vector<16xi32>], vector<16xf32>,
    %add3A_935 = arith.addi %mul3A_933, %and3A_930 : vector<16xi32>
    tpu.vector_store_idx %arg5[%add3A_935], %broadcast_in_dim3A_5 : memref<65536xf32, #tpu.memory_space<vmem>>[vector<16xi32>], vector<16xf32>,
    %get3A_936 = arith.constant 928 : index
    %get3A_937 = tpu.vector_load %arg4[%get3A_936] {strides = array<i32>} : memref<1024xi32, #tpu.memory_space<vmem>>, vector<16xi32>,
    %add3A_938 = arith.constant 928 : i32
    %add3A_939 = vector.broadcast %add3A_938 : i32 to vector<16xi32>
    %add3A_940 = arith.addi %add3A_939, %iota3A : vector<16xi32>
    %shift_right_logical3A_941 = arith.constant 6 : i32
    %shift_right_logical3A_942 = vector.broadcast %shift_right_logical3A_941 : i32 to vector<16xi32>
    %shift_right_logical3A_943 = arith.shrui %get3A_937, %shift_right_logical3A_942 : vector<16xi32>
    %and3A_944 = arith.constant 63 : i32
    %and3A_945 = vector.broadcast %and3A_944 : i32 to vector<16xi32>
    %and3A_946 = arith.andi %get3A_937, %and3A_945 : vector<16xi32>
    %mul3A_947 = arith.constant 64 : i32
    %mul3A_948 = vector.broadcast %mul3A_947 : i32 to vector<16xi32>
    %mul3A_949 = arith.muli %add3A_940, %mul3A_948 : vector<16xi32>
    %add3A_950 = arith.addi %mul3A_949, %shift_right_logical3A_943 : vector<16xi32>
    tpu.vector_store_idx %arg5[%add3A_950], %broadcast_in_dim3A_5 : memref<65536xf32, #tpu.memory_space<vmem>>[vector<16xi32>], vector<16xf32>,
    %add3A_951 = arith.addi %mul3A_949, %and3A_946 : vector<16xi32>
    tpu.vector_store_idx %arg5[%add3A_951], %broadcast_in_dim3A_5 : memref<65536xf32, #tpu.memory_space<vmem>>[vector<16xi32>], vector<16xf32>,
    %get3A_952 = arith.constant 944 : index
    %get3A_953 = tpu.vector_load %arg4[%get3A_952] {strides = array<i32>} : memref<1024xi32, #tpu.memory_space<vmem>>, vector<16xi32>,
    %add3A_954 = arith.constant 944 : i32
    %add3A_955 = vector.broadcast %add3A_954 : i32 to vector<16xi32>
    %add3A_956 = arith.addi %add3A_955, %iota3A : vector<16xi32>
    %shift_right_logical3A_957 = arith.constant 6 : i32
    %shift_right_logical3A_958 = vector.broadcast %shift_right_logical3A_957 : i32 to vector<16xi32>
    %shift_right_logical3A_959 = arith.shrui %get3A_953, %shift_right_logical3A_958 : vector<16xi32>
    %and3A_960 = arith.constant 63 : i32
    %and3A_961 = vector.broadcast %and3A_960 : i32 to vector<16xi32>
    %and3A_962 = arith.andi %get3A_953, %and3A_961 : vector<16xi32>
    %mul3A_963 = arith.constant 64 : i32
    %mul3A_964 = vector.broadcast %mul3A_963 : i32 to vector<16xi32>
    %mul3A_965 = arith.muli %add3A_956, %mul3A_964 : vector<16xi32>
    %add3A_966 = arith.addi %mul3A_965, %shift_right_logical3A_959 : vector<16xi32>
    tpu.vector_store_idx %arg5[%add3A_966], %broadcast_in_dim3A_5 : memref<65536xf32, #tpu.memory_space<vmem>>[vector<16xi32>], vector<16xf32>,
    %add3A_967 = arith.addi %mul3A_965, %and3A_962 : vector<16xi32>
    tpu.vector_store_idx %arg5[%add3A_967], %broadcast_in_dim3A_5 : memref<65536xf32, #tpu.memory_space<vmem>>[vector<16xi32>], vector<16xf32>,
    %get3A_968 = arith.constant 960 : index
    %get3A_969 = tpu.vector_load %arg4[%get3A_968] {strides = array<i32>} : memref<1024xi32, #tpu.memory_space<vmem>>, vector<16xi32>,
    %add3A_970 = arith.constant 960 : i32
    %add3A_971 = vector.broadcast %add3A_970 : i32 to vector<16xi32>
    %add3A_972 = arith.addi %add3A_971, %iota3A : vector<16xi32>
    %shift_right_logical3A_973 = arith.constant 6 : i32
    %shift_right_logical3A_974 = vector.broadcast %shift_right_logical3A_973 : i32 to vector<16xi32>
    %shift_right_logical3A_975 = arith.shrui %get3A_969, %shift_right_logical3A_974 : vector<16xi32>
    %and3A_976 = arith.constant 63 : i32
    %and3A_977 = vector.broadcast %and3A_976 : i32 to vector<16xi32>
    %and3A_978 = arith.andi %get3A_969, %and3A_977 : vector<16xi32>
    %mul3A_979 = arith.constant 64 : i32
    %mul3A_980 = vector.broadcast %mul3A_979 : i32 to vector<16xi32>
    %mul3A_981 = arith.muli %add3A_972, %mul3A_980 : vector<16xi32>
    %add3A_982 = arith.addi %mul3A_981, %shift_right_logical3A_975 : vector<16xi32>
    tpu.vector_store_idx %arg5[%add3A_982], %broadcast_in_dim3A_5 : memref<65536xf32, #tpu.memory_space<vmem>>[vector<16xi32>], vector<16xf32>,
    %add3A_983 = arith.addi %mul3A_981, %and3A_978 : vector<16xi32>
    tpu.vector_store_idx %arg5[%add3A_983], %broadcast_in_dim3A_5 : memref<65536xf32, #tpu.memory_space<vmem>>[vector<16xi32>], vector<16xf32>,
    %get3A_984 = arith.constant 976 : index
    %get3A_985 = tpu.vector_load %arg4[%get3A_984] {strides = array<i32>} : memref<1024xi32, #tpu.memory_space<vmem>>, vector<16xi32>,
    %add3A_986 = arith.constant 976 : i32
    %add3A_987 = vector.broadcast %add3A_986 : i32 to vector<16xi32>
    %add3A_988 = arith.addi %add3A_987, %iota3A : vector<16xi32>
    %shift_right_logical3A_989 = arith.constant 6 : i32
    %shift_right_logical3A_990 = vector.broadcast %shift_right_logical3A_989 : i32 to vector<16xi32>
    %shift_right_logical3A_991 = arith.shrui %get3A_985, %shift_right_logical3A_990 : vector<16xi32>
    %and3A_992 = arith.constant 63 : i32
    %and3A_993 = vector.broadcast %and3A_992 : i32 to vector<16xi32>
    %and3A_994 = arith.andi %get3A_985, %and3A_993 : vector<16xi32>
    %mul3A_995 = arith.constant 64 : i32
    %mul3A_996 = vector.broadcast %mul3A_995 : i32 to vector<16xi32>
    %mul3A_997 = arith.muli %add3A_988, %mul3A_996 : vector<16xi32>
    %add3A_998 = arith.addi %mul3A_997, %shift_right_logical3A_991 : vector<16xi32>
    tpu.vector_store_idx %arg5[%add3A_998], %broadcast_in_dim3A_5 : memref<65536xf32, #tpu.memory_space<vmem>>[vector<16xi32>], vector<16xf32>,
    %add3A_999 = arith.addi %mul3A_997, %and3A_994 : vector<16xi32>
    tpu.vector_store_idx %arg5[%add3A_999], %broadcast_in_dim3A_5 : memref<65536xf32, #tpu.memory_space<vmem>>[vector<16xi32>], vector<16xf32>,
    %get3A_1000 = arith.constant 992 : index
    %get3A_1001 = tpu.vector_load %arg4[%get3A_1000] {strides = array<i32>} : memref<1024xi32, #tpu.memory_space<vmem>>, vector<16xi32>,
    %add3A_1002 = arith.constant 992 : i32
    %add3A_1003 = vector.broadcast %add3A_1002 : i32 to vector<16xi32>
    %add3A_1004 = arith.addi %add3A_1003, %iota3A : vector<16xi32>
    %shift_right_logical3A_1005 = arith.constant 6 : i32
    %shift_right_logical3A_1006 = vector.broadcast %shift_right_logical3A_1005 : i32 to vector<16xi32>
    %shift_right_logical3A_1007 = arith.shrui %get3A_1001, %shift_right_logical3A_1006 : vector<16xi32>
    %and3A_1008 = arith.constant 63 : i32
    %and3A_1009 = vector.broadcast %and3A_1008 : i32 to vector<16xi32>
    %and3A_1010 = arith.andi %get3A_1001, %and3A_1009 : vector<16xi32>
    %mul3A_1011 = arith.constant 64 : i32
    %mul3A_1012 = vector.broadcast %mul3A_1011 : i32 to vector<16xi32>
    %mul3A_1013 = arith.muli %add3A_1004, %mul3A_1012 : vector<16xi32>
    %add3A_1014 = arith.addi %mul3A_1013, %shift_right_logical3A_1007 : vector<16xi32>
    tpu.vector_store_idx %arg5[%add3A_1014], %broadcast_in_dim3A_5 : memref<65536xf32, #tpu.memory_space<vmem>>[vector<16xi32>], vector<16xf32>,
    %add3A_1015 = arith.addi %mul3A_1013, %and3A_1010 : vector<16xi32>
    tpu.vector_store_idx %arg5[%add3A_1015], %broadcast_in_dim3A_5 : memref<65536xf32, #tpu.memory_space<vmem>>[vector<16xi32>], vector<16xf32>,
    %get3A_1016 = arith.constant 1008 : index
    %get3A_1017 = tpu.vector_load %arg4[%get3A_1016] {strides = array<i32>} : memref<1024xi32, #tpu.memory_space<vmem>>, vector<16xi32>,
    %add3A_1018 = arith.constant 1008 : i32
    %add3A_1019 = vector.broadcast %add3A_1018 : i32 to vector<16xi32>
    %add3A_1020 = arith.addi %add3A_1019, %iota3A : vector<16xi32>
    %shift_right_logical3A_1021 = arith.constant 6 : i32
    %shift_right_logical3A_1022 = vector.broadcast %shift_right_logical3A_1021 : i32 to vector<16xi32>
    %shift_right_logical3A_1023 = arith.shrui %get3A_1017, %shift_right_logical3A_1022 : vector<16xi32>
    %and3A_1024 = arith.constant 63 : i32
    %and3A_1025 = vector.broadcast %and3A_1024 : i32 to vector<16xi32>
    %and3A_1026 = arith.andi %get3A_1017, %and3A_1025 : vector<16xi32>
    %mul3A_1027 = arith.constant 64 : i32
    %mul3A_1028 = vector.broadcast %mul3A_1027 : i32 to vector<16xi32>
    %mul3A_1029 = arith.muli %add3A_1020, %mul3A_1028 : vector<16xi32>
    %add3A_1030 = arith.addi %mul3A_1029, %shift_right_logical3A_1023 : vector<16xi32>
    tpu.vector_store_idx %arg5[%add3A_1030], %broadcast_in_dim3A_5 : memref<65536xf32, #tpu.memory_space<vmem>>[vector<16xi32>], vector<16xf32>,
    %add3A_1031 = arith.addi %mul3A_1029, %and3A_1026 : vector<16xi32>
    tpu.vector_store_idx %arg5[%add3A_1031], %broadcast_in_dim3A_5 : memref<65536xf32, #tpu.memory_space<vmem>>[vector<16xi32>], vector<16xf32>,
    %mul3A_1032 = arith.constant 64 : i32
    %mul3A_1033 = arith.muli %mul3A_2, %mul3A_1032 : i32
    "tpu.region"() ({
      %run_scoped3A = tpu.sem_alloc : memref<!tpu.dma_semaphore, #tpu.memory_space<semaphore_mem>>
      %dma_start3A = tpu.memref_slice %arg3[%mul3A_1033] : memref<2097152xf32, #tpu.memory_space<hbm>> -> memref<65536xf32, #tpu.memory_space<hbm>>
      %dma_start3A_1034 = tpu.memref_slice %arg3[%mul3A_1033] : memref<2097152xf32, #tpu.memory_space<hbm>> -> memref<65536xf32, #tpu.memory_space<hbm>>
      tpu.enqueue_dma source(%arg5 : memref<65536xf32, #tpu.memory_space<vmem>>) target(%dma_start3A_1034 : memref<65536xf32, #tpu.memory_space<hbm>>) target_semaphore(%run_scoped3A : memref<!tpu.dma_semaphore, #tpu.memory_space<semaphore_mem>>)
      %dma_wait3A = tpu.memref_slice %arg3[%mul3A_1033] : memref<2097152xf32, #tpu.memory_space<hbm>> -> memref<65536xf32, #tpu.memory_space<hbm>>
      %dma_wait3A_1035 = tpu.memref_slice %arg3[%mul3A_1033] : memref<2097152xf32, #tpu.memory_space<hbm>> -> memref<65536xf32, #tpu.memory_space<hbm>>
      tpu.wait_dma2 semaphore(%run_scoped3A : memref<!tpu.dma_semaphore, #tpu.memory_space<semaphore_mem>>) src(%arg5 : memref<65536xf32, #tpu.memory_space<vmem>>) dst(%dma_wait3A_1035 : memref<65536xf32, #tpu.memory_space<hbm>>)
      tpu.yield
    }) : () -> ()
    return
  }
}

module attributes {stable_mosaic.version = 14 : i64} {
  func.func @_gate_body(%arg0: i32, %arg1: memref<4096x768xf32, #tpu.memory_space<vmem>>, %arg2: memref<64x768xf32, #tpu.memory_space<vmem>>, %arg3: memref<1x64xf32, #tpu.memory_space<vmem>>, %arg4: memref<1x1x4096xi32, #tpu.memory_space<vmem>>) attributes {dimension_semantics = [#tpu.dimension_semantics<arbitrary>], iteration_bounds = array<i64: 8>, scalar_prefetch = 0 : i64, scratch_operands = 0 : i64, tpu.core_type = #tpu.core_type<tc>, window_params = [{transform_indices = @transform_0, window_bounds = array<i64: 4096, 768>}, {pipeline_mode = #tpu.pipeline_mode<synchronous>, transform_indices = @transform_1, window_bounds = array<i64: 64, 768>}, {pipeline_mode = #tpu.pipeline_mode<synchronous>, transform_indices = @transform_2, window_bounds = array<i64: 1, 64>}, {transform_indices = @transform_3, window_bounds = array<i64: 1, 1, 4096>}]} {
    %get3A = arith.constant 0 : index
    %get3A_0 = arith.constant 0 : index
    %get3A_1 = vector.load %arg1[%get3A, %get3A_0] : memref<4096x768xf32, #tpu.memory_space<vmem>>, vector<4096x768xf32>
    %get3A_2 = arith.constant 0 : index
    %get3A_3 = arith.constant 0 : index
    %get3A_4 = vector.load %arg2[%get3A_2, %get3A_3] : memref<64x768xf32, #tpu.memory_space<vmem>>, vector<64x768xf32>
    %dot_general3A = arith.constant dense<0.000000e+00> : vector<4096x64xf32>
    %dot_general3A_5 = tpu.matmul %get3A_1, %get3A_4, %dot_general3A {dimension_numbers = #tpu.dot_dimension_numbers<[1], [1], [0], [0], [0, 0, 1, 0], [], []>, transpose_lhs_hint = false} : vector<4096x768xf32>, vector<64x768xf32>, vector<4096x64xf32> -> vector<4096x64xf32>
    %get3A_6 = arith.constant 0 : index
    %get3A_7 = arith.constant 0 : index
    %get3A_8 = vector.load %arg3[%get3A_6, %get3A_7] : memref<1x64xf32, #tpu.memory_space<vmem>>, vector<1x64xf32>
    %add3A = vector.broadcast %get3A_8 : vector<1x64xf32> to vector<4096x64xf32>
    %add3A_9 = arith.addf %dot_general3A_5, %add3A : vector<4096x64xf32>
    %reduce_max3A = arith.constant dense<0xFF800000> : vector<4096xf32>
    %reduce_max3A_10 = vector.multi_reduction <maximumf>, %add3A_9, %reduce_max3A [1] : vector<4096x64xf32> to vector<4096xf32>
    %broadcast_in_dim3A = vector.shape_cast %reduce_max3A_10 : vector<4096xf32> to vector<4096x1xf32>
    %eq3A = vector.broadcast %broadcast_in_dim3A : vector<4096x1xf32> to vector<4096x64xf32>
    %eq3A_11 = arith.cmpf oeq, %add3A_9, %eq3A : vector<4096x64xf32>
    %convert_element_type3A = arith.extui %eq3A_11 : vector<4096x64xi1> to vector<4096x64xi32>
    %convert_element_type3A_12 = arith.sitofp %convert_element_type3A : vector<4096x64xi32> to vector<4096x64xf32>
    %jit3A = arith.constant 0xFF800000 : f32
    %broadcast_in_dim3A_13 = vector.broadcast %jit3A : f32 to vector<4096x64xf32>
    %select_n3A = arith.select %eq3A_11, %broadcast_in_dim3A_13, %add3A_9 : vector<4096x64xi1>, vector<4096x64xf32>
    %reduce_max3A_14 = arith.constant dense<0xFF800000> : vector<4096xf32>
    %reduce_max3A_15 = vector.multi_reduction <maximumf>, %select_n3A, %reduce_max3A_14 [1] : vector<4096x64xf32> to vector<4096xf32>
    %broadcast_in_dim3A_16 = vector.shape_cast %reduce_max3A_15 : vector<4096xf32> to vector<4096x1xf32>
    %eq3A_17 = vector.broadcast %broadcast_in_dim3A_16 : vector<4096x1xf32> to vector<4096x64xf32>
    %eq3A_18 = arith.cmpf oeq, %select_n3A, %eq3A_17 : vector<4096x64xf32>
    %iota3A = tpu.iota {dimensions = array<i32: 0>} : vector<64x64xi32>
    %iota3A_19 = tpu.iota {dimensions = array<i32: 1>} : vector<64x64xi32>
    %le3A = arith.cmpi sle, %iota3A, %iota3A_19 : vector<64x64xi32>
    %convert_element_type3A_20 = arith.extui %le3A : vector<64x64xi1> to vector<64x64xi32>
    %convert_element_type3A_21 = arith.sitofp %convert_element_type3A_20 : vector<64x64xi32> to vector<64x64xf32>
    %convert_element_type3A_22 = arith.extui %eq3A_18 : vector<4096x64xi1> to vector<4096x64xi32>
    %convert_element_type3A_23 = arith.sitofp %convert_element_type3A_22 : vector<4096x64xi32> to vector<4096x64xf32>
    %mul3A = arith.constant 1.562500e-02 : f32
    %mul3A_24 = vector.broadcast %mul3A : f32 to vector<4096x64xf32>
    %mul3A_25 = arith.mulf %convert_element_type3A_23, %mul3A_24 : vector<4096x64xf32>
    %add3A_26 = arith.addf %convert_element_type3A_12, %mul3A_25 : vector<4096x64xf32>
    %dot_general3A_27 = arith.constant dense<0.000000e+00> : vector<4096x64xf32>
    %dot_general3A_28 = tpu.matmul %add3A_26, %convert_element_type3A_21, %dot_general3A_27 {dimension_numbers = #tpu.dot_dimension_numbers<[1], [0], [0], [1], [0, 0, 1, 1], [], []>, transpose_lhs_hint = false} : vector<4096x64xf32>, vector<64x64xf32>, vector<4096x64xf32> -> vector<4096x64xf32>
    %floor3A = math.floor %dot_general3A_28 : vector<4096x64xf32>
    %sub3A = arith.subf %dot_general3A_28, %floor3A : vector<4096x64xf32>
    %mul3A_29 = arith.constant 6.400000e+01 : f32
    %mul3A_30 = vector.broadcast %mul3A_29 : f32 to vector<4096x64xf32>
    %mul3A_31 = arith.mulf %sub3A, %mul3A_30 : vector<4096x64xf32>
    %reduce_sum3A = arith.constant dense<0.000000e+00> : vector<4096xf32>
    %reduce_sum3A_32 = vector.multi_reduction <add>, %convert_element_type3A_12, %reduce_sum3A [1] : vector<4096x64xf32> to vector<4096xf32>
    %broadcast_in_dim3A_33 = vector.shape_cast %reduce_sum3A_32 : vector<4096xf32> to vector<4096x1xf32>
    %eq3A_34 = arith.constant 1.000000e+00 : f32
    %eq3A_35 = vector.broadcast %eq3A_34 : f32 to vector<4096x64xf32>
    %eq3A_36 = arith.cmpf oeq, %floor3A, %eq3A_35 : vector<4096x64xf32>
    %and3A = arith.andi %eq3A_11, %eq3A_36 : vector<4096x64xi1>
    %eq3A_37 = arith.constant 2.000000e+00 : f32
    %eq3A_38 = vector.broadcast %eq3A_37 : f32 to vector<4096x64xf32>
    %eq3A_39 = arith.cmpf oeq, %floor3A, %eq3A_38 : vector<4096x64xf32>
    %and3A_40 = arith.andi %eq3A_11, %eq3A_39 : vector<4096x64xi1>
    %eq3A_41 = arith.constant 1.000000e+00 : f32
    %eq3A_42 = vector.broadcast %eq3A_41 : f32 to vector<4096x1xf32>
    %eq3A_43 = arith.cmpf oeq, %broadcast_in_dim3A_33, %eq3A_42 : vector<4096x1xf32>
    %and3A_44 = vector.broadcast %eq3A_43 : vector<4096x1xi1> to vector<4096x64xi1>
    %and3A_45 = arith.andi %eq3A_18, %and3A_44 : vector<4096x64xi1>
    %eq3A_46 = arith.constant 1.000000e+00 : f32
    %eq3A_47 = vector.broadcast %eq3A_46 : f32 to vector<4096x64xf32>
    %eq3A_48 = arith.cmpf oeq, %mul3A_31, %eq3A_47 : vector<4096x64xf32>
    %and3A_49 = arith.andi %and3A_45, %eq3A_48 : vector<4096x64xi1>
    %or3A = arith.ori %and3A_40, %and3A_49 : vector<4096x64xi1>
    %iota3A_50 = tpu.iota {dimensions = array<i32: 1>} : vector<4096x64xi32>
    %convert_element_type3A_51 = arith.sitofp %iota3A_50 : vector<4096x64xi32> to vector<4096x64xf32>
    %mul3A_52 = arith.constant 6.400000e+01 : f32
    %mul3A_53 = vector.broadcast %mul3A_52 : f32 to vector<4096x64xf32>
    %mul3A_54 = arith.mulf %convert_element_type3A_51, %mul3A_53 : vector<4096x64xf32>
    %jit3A_55 = arith.constant 0.000000e+00 : f32
    %broadcast_in_dim3A_56 = vector.broadcast %jit3A_55 : f32 to vector<4096x64xf32>
    %select_n3A_57 = arith.select %and3A, %mul3A_54, %broadcast_in_dim3A_56 : vector<4096x64xi1>, vector<4096x64xf32>
    %jit3A_58 = arith.constant 0.000000e+00 : f32
    %broadcast_in_dim3A_59 = vector.broadcast %jit3A_58 : f32 to vector<4096x64xf32>
    %select_n3A_60 = arith.select %or3A, %convert_element_type3A_51, %broadcast_in_dim3A_59 : vector<4096x64xi1>, vector<4096x64xf32>
    %add3A_61 = arith.addf %select_n3A_57, %select_n3A_60 : vector<4096x64xf32>
    %reduce_sum3A_62 = arith.constant dense<0.000000e+00> : vector<4096xf32>
    %reduce_sum3A_63 = vector.multi_reduction <add>, %add3A_61, %reduce_sum3A_62 [1] : vector<4096x64xf32> to vector<4096xf32>
    %convert_element_type3A_64 = arith.fptosi %reduce_sum3A_63 : vector<4096xf32> to vector<4096xi32>
    %reshape3A = vector.shape_cast %convert_element_type3A_64 : vector<4096xi32> to vector<1x1x4096xi32>
    %swap3A = arith.constant 0 : index
    %swap3A_65 = arith.constant 0 : index
    %swap3A_66 = arith.constant 0 : index
    %swap3A_67 = vector.load %arg4[%swap3A, %swap3A_65, %swap3A_66] : memref<1x1x4096xi32, #tpu.memory_space<vmem>>, vector<1x1x4096xi32>
    tpu.vector_store %arg4[%swap3A, %swap3A_65, %swap3A_66], %reshape3A {strides = array<i32>} : memref<1x1x4096xi32, #tpu.memory_space<vmem>>, vector<1x1x4096xi32>,
    return
  }
  func.func @transform_0(%arg0: i32) -> (i32, i32) {
    %c0_i32 = arith.constant 0 : i32
    %c0_i32_0 = arith.constant 0 : i32
    return %arg0, %c0_i32 : i32, i32
  }
  func.func @transform_1(%arg0: i32) -> (i32, i32) {
    %c0_i32 = arith.constant 0 : i32
    %c0_i32_0 = arith.constant 0 : i32
    %c0_i32_1 = arith.constant 0 : i32
    return %c0_i32, %c0_i32_0 : i32, i32
  }
  func.func @transform_2(%arg0: i32) -> (i32, i32) {
    %c0_i32 = arith.constant 0 : i32
    %c0_i32_0 = arith.constant 0 : i32
    %c0_i32_1 = arith.constant 0 : i32
    return %c0_i32, %c0_i32_0 : i32, i32
  }
  func.func @transform_3(%arg0: i32) -> (i32, i32, i32) {
    %c0_i32 = arith.constant 0 : i32
    %c0_i32_0 = arith.constant 0 : i32
    %c0_i32_1 = arith.constant 0 : i32
    return %arg0, %c0_i32, %c0_i32_0 : i32, i32, i32
  }
}

</mosaic_0001>

<sc_bundles>
// kernel: kernel.4.cloned.1.call-start
scs
__scs_entry_jumppad:
0x0: {  	(pc) =	sbr.rel $0x88, $3  }
0x1: {  	(tag) =	ssettag $0x0;
	lr =	simm.s32 $0x1  }
0x2: {  	[smem:$0x3F9E] =	sst lr;
	_ =	strace $0xD0000000  }
0x3: {  	_ = 	snop  }
0x4: {  	_ = 	snop  }
0x5: {  	_ = 	snop  }
0x6: {  	_ = 	snop  }
0x7: {  	_ = 	snop  }
__scs_overlays_trampoline_lowered:
0x8: {  	[smem:$0x3FAD] =	sst s0  }
0x9: {  	[smem:$0x3FAE] =	sst s1  }
0xa: {  	[smem:$0x3FAF] =	sst s2  }
0xb: {  	[smem:$0x3FB0] =	sst s3  }
0xc: {  	[smem:$0x3FB1] =	sst s4  }
0xd: {  	[smem:$0x3FB2] =	sst s5  }
0xe: {  	[smem:$0x3FB3] =	sst s6  }
0xf: {  	[smem:$0x3FB4] =	sst s7  }
0x10: {  	[smem:$0x3FB5] =	sst s8  }
0x11: {  	[smem:$0x3FB6] =	sst s9;
	s0 =	simm.s32 @!p0 $0x0  }
0x12: {  	s1 =	sld [smem:$0x3F9C];
	s0 =	simm.s32 @p0 $0x1  }
0x13: {  	[smem:$0x3FB7] =	sst s0;
	s0 =	simm.s32 @!p1 $0x0  }
0x14: {  	s2 =	sld [smem:$0x3F9B];
	s0 =	simm.s32 @p1 $0x1  }
0x15: {  	[smem:$0x3FB8] =	sst s0;
	s0 =	simm.s32 @!p2 $0x0  }
0x16: {  	s3 =	sld [smem:$0x3FDB];
	s0 =	simm.s32 @p2 $0x1  }
0x17: {  	s4 =	simm.s32 $0x1BF5;
	[smem:$0x3FBA] =	sst s0  }
0x18: {  	s0 =	sld [smem:$0x3F9D];
	_ =	swait.ge [sflag:s4], $0x0  }
0x19: {  	s7 =	sld [smem:$0x3F9E]  }
0x1a: {  	s8 =	sadd.s32 $0xFFFFE003, lr  }
0x1b: {  	s9 =	sadd.s32 $0xFFFFFEF7, lr;
	s5 =	simm.s32 $0xFFFFFFFF;
	p2 =	slt.u32 s8, $0xFFFFF086  }
0x1c: {  	p1 =	slt.u32 s9, $0xF7A;
	s5 =	simm.s32 @!p2 $0x0  }
0x1d: {  	s5 =	simm.s32 @p1 $0x1;
	p0 =	seq.s32 s7, s2  }
0x1e: {  	s7 =	smul.u32 @!p0 $0xF7A, s2;
	p2 =	seq.s32 @!p0 s5, $0x0  }
0x1f: {  	s9 =	smul.u32 $0xF7A, s1;
	s8 =	simm.s32 @!p0 $0x1BF5;
	p2 =	por !p2, p0  }
0x20: {  	[sflag:s8] =	ssyncset.s32 @!p0 $0xFFFFF086;
	s6 =	sadd.s32 @!p0 s3, s7;
	s7 =	simm.s32 @!p0 $0x108  }
0x21: {  	s3 =	sadd.s32 s3, s9;
	s6 =	sadd.s32 @!p0 $0x88, s6;
	s7 =	simm.s32 @p2 $0x1082  }
0x22: {  	[simem:s7], [sflag:s8] =	dma.local @!p0 [hbm:s6], $0xF7A  }
0x23: {  	s9 =	sor.u32 $0xD0000000, s2;
	s6 =	simm.s32 $0x108;
	_ =	swait.ge @!p0 [sflag:s8], $0x0  }
0x24: {  	s3 =	sadd.s32 $0x88, s3;
	s6 =	simm.s32 @!p1 $0x1082;
	[sflag:s4] =	ssyncset.s32 $0xFFFFF086  }
0x25: {  	[simem:s6], [sflag:s4] =	dma.local [hbm:s3], $0xF7A  }
0x26: {  	[smem:$0x3F9E] =	sst s1;
	(tag) =	ssettag s2;
	_ =	strace s9  }
0x27: {  	s1 =	sld [smem:$0x3FAE]  }
0x28: {  	s2 =	sld [smem:$0x3FAF]  }
0x29: {  	s4 =	sld [smem:$0x3FB1]  }
0x2a: {  	p0 =	seq.s32 s5, $0x0;
	s5 =	sld [smem:$0x3FB2]  }
0x2b: {  	s6 =	sld [smem:$0x3FB3]  }
0x2c: {  	s7 =	sld [smem:$0x3FB4]  }
0x2d: {  	s3 =	simm.s32 $0x108;
	s8 =	sld [smem:$0x3FB5]  }
0x2e: {  	s3 =	simm.s32 @!p0 $0x1082;
	s9 =	sld [smem:$0x3FB6]  }
0x2f: {  	lr =	sadd.s32 s0, s3;
	s0 =	sld [smem:$0x3FAD]  }
0x30: {  	s3 =	sld [smem:$0x3FB0]  }
0x31: {  	[smem:$0x3FB9] =	sst s10  }
0x32: {  	s10 =	sld [smem:$0x3FB7];
	_ =	sdelay $0x3  }
0x33: {  	p0 =	seq.s32 s10, $0x1;
	s10 =	sld [smem:$0x3FB9];
	_ =	sdelay $0x3  }
0x34: {  	[smem:$0x3FB9] =	sst s10  }
0x35: {  	s10 =	sld [smem:$0x3FB8];
	_ =	sdelay $0x3  }
0x36: {  	p1 =	seq.s32 s10, $0x1;
	s10 =	sld [smem:$0x3FB9];
	_ =	sdelay $0x3  }
0x37: {  	[smem:$0x3FB9] =	sst s10  }
0x38: {  	s10 =	sld [smem:$0x3FBA]  }
0x39: {  	_ = 	snop;
	(pc) =	sbr.ind lr, $3  }
0x3a: {  	_ = 	snop  }
0x3b: {  	_ = 	snop  }
0x3c: {  	p2 =	seq.s32 s10, $0x1;
	s10 =	sld [smem:$0x3FB9]  }
0x3d: {  	_ =	shalt  }
0x3e: {  	_ =	shalt  }
0x3f: {  	_ =	shalt  }
0x40: {  	_ =	shalt  }
0x41: {  	_ =	shalt  }
0x42: {  	_ =	shalt  }
0x43: {  	_ =	shalt  }
0x44: {  	_ =	shalt  }
0x45: {  	_ =	shalt  }
0x46: {  	_ =	shalt  }
0x47: {  	_ =	shalt  }
0x48: {  	_ =	shalt  }
0x49: {  	_ =	shalt  }
0x4a: {  	_ =	shalt  }
0x4b: {  	_ =	shalt  }
0x4c: {  	_ =	shalt  }
0x4d: {  	_ =	shalt  }
0x4e: {  	_ =	shalt  }
0x4f: {  	_ =	shalt  }
0x50: {  	_ =	shalt  }
0x51: {  	_ =	shalt  }
0x52: {  	_ =	shalt  }
0x53: {  	_ =	shalt  }
0x54: {  	_ =	shalt  }
0x55: {  	_ =	shalt  }
0x56: {  	_ =	shalt  }
0x57: {  	_ =	shalt  }
0x58: {  	_ =	shalt  }
0x59: {  	_ =	shalt  }
0x5a: {  	_ =	shalt  }
0x5b: {  	_ =	shalt  }
0x5c: {  	_ =	shalt  }
0x5d: {  	_ =	shalt  }
0x5e: {  	_ =	shalt  }
0x5f: {  	_ =	shalt  }
0x60: {  	_ =	shalt  }
0x61: {  	_ =	shalt  }
0x62: {  	_ =	shalt  }
0x63: {  	_ =	shalt  }
0x64: {  	_ =	shalt  }
0x65: {  	_ =	shalt  }
0x66: {  	_ =	shalt  }
0x67: {  	_ =	shalt  }
0x68: {  	_ =	shalt  }
0x69: {  	_ =	shalt  }
0x6a: {  	_ =	shalt  }
0x6b: {  	_ =	shalt  }
0x6c: {  	_ =	shalt  }
0x6d: {  	_ =	shalt  }
0x6e: {  	_ =	shalt  }
0x6f: {  	_ =	shalt  }
0x70: {  	_ =	shalt  }
0x71: {  	_ =	shalt  }
0x72: {  	_ =	shalt  }
0x73: {  	_ =	shalt  }
0x74: {  	_ =	shalt  }
0x75: {  	_ =	shalt  }
0x76: {  	_ =	shalt  }
0x77: {  	_ =	shalt  }
0x78: {  	_ =	shalt  }
0x79: {  	_ =	shalt  }
0x7a: {  	_ =	shalt  }
0x7b: {  	_ =	shalt  }
0x7c: {  	_ =	shalt  }
0x7d: {  	_ =	shalt  }
0x7e: {  	_ =	shalt  }
0x7f: {  	_ =	shalt  }
0x80: {  	_ =	shalt  }
0x81: {  	_ =	shalt  }
0x82: {  	_ =	shalt  }
0x83: {  	_ =	shalt  }
0x84: {  	_ =	shalt  }
0x85: {  	_ =	shalt  }
0x86: {  	_ =	shalt  }
0x87: {  	_ =	shalt  }
.Lfunc_end0:
.L_simem_size_0:
called_computation_lowered:
.L_overlay_start_0:
0x88: {  	s2 =	sld [smem:$0x3FD9]  }
0x89: {  	s3 =	sld [smem:$0x3FFE];
	_ =	sdelay $0x1  }
0x8a: {  	s1 =	srdreg.scid  }
0x8b: {  	s0 =	sand.u32 $0x1, s1  }
0x8c: {  	s17 =	sshll.u32 s0, $0xA;
	s2 =	sadd.s32 s3, s2  }
0x8d: {  	s2 =	sadd.s32 s2, s17  }
0x8e: {  	[smem:$0x3FC5] =	sst s2  }
0x8f: {  	_ = 	snop  }
0x90: {  	s2 =	sld [smem:$0x3FD0];
	(tm) =	ssettm $0x1  }
0x91: {  	s18 =	sld [smem:$0x3FFB];
	_ =	sdelay $0x3  }
0x92: {  	_ =	strace s18  }
0x93: {  	s3 =	sld [smem:$0x3FFC];
	_ =	sdelay $0x3  }
0x94: {  	_ =	strace s3  }
0x95: {  	s3 =	sld [smem:$0x3FFD];
	_ =	sdelay $0x3  }
0x96: {  	_ =	strace s3  }
0x97: {  	_ =	strace $0x8FFFFFFF  }
0x98: {  	s19 =	sld [smem:$0x3FDB];
	_ =	sdelay $0x1  }
0x99: {  	s4 =	simm.s32 $_scs_section_size  }
0x9a: {  	s5 =	simm.s32 $_size__tile_overlayer_lowered;
	s6 =	simm.s32 $_tile_overlayer_lowered  }
0x9b: {  	s22 =	simm.s32 $0x1BFF;
	s21 =	sshll.u32 s6, $0x1;
	s3 =	sadd.s32 s4, s19  }
0x9c: {  	s7 =	simm.s32 $0x0;
	s20 =	sshll.u32 s5, $0x1;
	s5 =	sadd.s32 s21, s3  }
0x9d: {  	[timem:s7], [sflag:s22] =	dma.local [hbm:s5], s20  }
0x9e: {  	_ =	swait.ge [sflag:s22], s20  }
0x9f: {  	s4 =	ssub.s32 $0x0, s20;
	[sflag:s22] =	ssyncset.done $0x0  }
0xa0: {  	[sflag:s22] =	ssyncadd.s32 s4;
	_ =	sdelay $0x1  }
0xa1: {  	s23 =	simm.s32 $0x1B8B  }
0xa2: {  	_ =	swait.ge [sflag:s23], $0x1  }
0xa3: {  	[sflag:s23] =	ssyncset.done $0x0  }
0xa4: {  	s25 =	simm.s32 $0x1B8E;
	s24 =	sld [smem:$0x3FFE];
	[sflag:s23] =	ssyncadd.s32 $0xFFFFFFFF  }
0xa5: {  	s26 =	simm.s32 $execute0_lowered;
	[smem:$0x3FD2] =	sst s25  }
0xa6: {  	s5 =	sshll.u32 s26, $0x1;
	_ =	strace $0x80000046;
	[dreg:$0x1] =	wrdreg $0xFFFFFFFF  }
0xa7: {  	s28 =	simm.s32 $_size_execute0_lowered;
	s3 =	sadd.s32 s3, s5;
	[dreg:$0x0] =	wrdreg $0x0  }
0xa8: {  	s5 =	sshll.u32 s28, $0x1;
	[dreg:$0x2] =	wrdreg s3  }
0xa9: {  	[dreg:$0x3] =	wrdreg s5  }
0xaa: {  	[dreg:$0x4] =	wrdreg $0xC0  }
0xab: {  	_ =	task [dreg:s7], $0x5FFFF  }
0xac: {  	[dreg:$0x1] =	wrdreg $0xFFFFFFFF  }
0xad: {  	[dreg:$0x0] =	wrdreg $0x60  }
0xae: {  	[dreg:$0x2] =	wrdreg s24  }
0xaf: {  	[dreg:$0x3] =	wrdreg s2  }
0xb0: {  	[dreg:$0x4] =	wrdreg $0x9  }
0xb1: {  	_ =	task.clear_ibuf [dreg:s7], $0x5FFFF;
	_ =	strace $0x90000046  }
0xb2: {  	s29 =	simm.s32 $0x9;
	_ =	strace $0x80000048  }
0xb3: {  	_ =	swait.ge [sflag:s29], $0x1  }
0xb4: {  	[sflag:s29] =	ssyncadd.s32 $0xFFFFFFFF  }
0xb5: {  	_ =	strace $0x90000048  }
0xb6: {  	_ =	sfence  }
0xb7: {  	s30 =	sld [smem:$0x0];
	_ =	sdelay $0x2  }
0xb8: {  	s31 =	sshll.u32 s1, $0xD;
	s1 =	sshrl.u32 s1, $0x2  }
0xb9: {  	s3 =	sand.u32 $0x4000, s31;
	s1 =	sadd.s32 s1, s30  }
0xba: {  	s0 =	sor.u32 s3, s0;
	s1 =	sshll.u32 s1, $0x11  }
0xbb: {  	s0 =	sor.u32 s1, s0  }
0xbc: {  	s0 =	sadd.s32 $0x8F2B, s0  }
0xbd: {  	[sflag:s0] =	ssyncadd.remote.s32 $0x1  }
0xbe: {  	_ =	sfence.sel $0xFFFF  }
0xbf: {  	[dreg:$0x0] =	wrdreg $0xFFFFFFFF;
	(pc) =	sbr.abs _section_cstart, $3  }
0xc0: {  	[dreg:$0x1] =	wrdreg $0xFFFFFFFF  }
0xc1: {  	_ =	task.clear_ibuf [dreg:s7], $0x2FFFF;
	_ =	strace $0x9FFFFFFF  }
0xc2: {  	(tm) =	ssettm $0x7FFFFFFF  }
0xc3: {  	_ =	shalt  }
tec
execute0_lowered:
.L_overlay_start_1:
0x0: {  	(tag) =	ssettag $0x1  }
0x1: {  	v0 =	vlaneseq.u32  }
0x2: {  	v0 =	vmul.u32 $0x40, v0;
	_ =	sdelay $0x1  }
0x3: {  	v1 =	vimm.f32 $0.0e+00;
	v2 =	vimm.f32 $1.000000000e+00;
	v3 =	vor.u32 $0x400, v0  }
0x4: {  	v6 =	vor.u32 $0x1000, v0;
	v7 =	vor.u32 $0x1400, v0;
	v8 =	vor.u32 $0x1800, v0  }
0x5: {  	v9 =	vor.u32 $0x1C00, v0;
	v10 =	vor.u32 $0x2000, v0;
	v11 =	vor.u32 $0x2400, v0  }
0x6: {  	v12 =	vor.u32 $0x2800, v0;
	v13 =	vor.u32 $0x2C00, v0;
	v14 =	vor.u32 $0x3000, v0  }
0x7: {  	v15 =	vor.u32 $0x3400, v0;
	v16 =	vor.u32 $0x3800, v0;
	v17 =	vor.u32 $0x3C00, v0  }
0x8: {  	v18 =	vor.u32 $0x4000, v0;
	v19 =	vor.u32 $0x4400, v0;
	v20 =	vor.u32 $0x4800, v0  }
0x9: {  	v21 =	vor.u32 $0x4C00, v0;
	v22 =	vor.u32 $0x5000, v0;
	v23 =	vor.u32 $0x5400, v0  }
0xa: {  	v24 =	vor.u32 $0x5800, v0;
	v25 =	vor.u32 $0x5C00, v0;
	v26 =	vor.u32 $0x6000, v0  }
0xb: {  	v27 =	vor.u32 $0x6400, v0;
	v28 =	vor.u32 $0x6800, v0;
	v29 =	vor.u32 $0x6C00, v0  }
0xc: {  	v30 =	vor.u32 $0x7000, v0;
	v31 =	vor.u32 $0x7400, v0;
	v32 =	vor.u32 $0x7800, v0  }
0xd: {  	v33 =	vor.u32 $0x7C00, v0;
	v34 =	vor.u32 $0x8000, v0;
	v35 =	vor.u32 $0x8400, v0  }
0xe: {  	s3 =	rddreg [dreg:$0x0];
	v36 =	vor.u32 $0x8800, v0;
	v37 =	vor.u32 $0x8C00, v0;
	v38 =	vor.u32 $0x9000, v0  }
0xf: {  	s4 =	rddreg [dreg:$0x1];
	v39 =	vor.u32 $0x9400, v0;
	v40 =	vor.u32 $0x9800, v0;
	v41 =	vor.u32 $0x9C00, v0  }
0x10: {  	s0 =	rddreg [dreg:$0x2];
	v42 =	vor.u32 $0xA000, v0;
	v43 =	vor.u32 $0xA400, v0;
	v44 =	vor.u32 $0xA800, v0  }
0x11: {  	s5 =	srdreg.scid;
	s1 =	stileid.u32;
	v45 =	vor.u32 $0xAC00, v0;
	v46 =	vor.u32 $0xB000, v0;
	v47 =	vor.u32 $0xB400, v0  }
0x12: {  	s2 =	simm.s32 $0x0;
	s5 =	sand.u32 $0x1, s5;
	s6 =	sshll.u32 s1, $0x1;
	v48 =	vor.u32 $0xB800, v0;
	v49 =	vor.u32 $0xBC00, v0;
	v50 =	vor.u32 $0xC000, v0  }
0x13: {  	[smem:$0x7FF] =	sst s2;
	s6 =	sor.u32 s5, s6;
	s5 =	ssub.s32 $0x2, s5;
	v51 =	vor.u32 $0xC400, v0;
	v52 =	vor.u32 $0xC800, v0;
	v53 =	vor.u32 $0xCC00, v0  }
0x14: {  	s7 =	sshll.u32 s6, $0x7;
	s8 =	sshrl.u32 s5, $0x1;
	v54 =	vor.u32 $0xD000, v0;
	s6 =	sshll.u32 s6, $0xD;
	v55 =	vor.u32 $0xD400, v0;
	[tilespmem:$0x1FFD0] =	vst v3;
	v3 =	vor.u32 $0x800, v0  }
0x15: {  	v56 =	vor.u32 $0xD800, v0;
	v57 =	vor.u32 $0xDC00, v0;
	s3 =	sadd.s32 s7, s3;
	s5 =	ssub.s32 s5, s8;
	s4 =	sadd.s32 s4, s6;
	[tilespmem:$0x1FFE0] =	vst v3;
	v3 =	vor.u32 $0xC00, v0  }
0x16: {  	v58 =	vor.u32 $0xE000, v0;
	v59 =	vor.u32 $0xE400, v0;
	v60 =	vor.u32 $0xE800, v0;
	s6 =	simm.s32 $0x1;
	s7 =	simm.s32 $0x400;
	s8 =	simm.s32 $0x0;
	[tilespmem:$0x1FFF0] =	vst v3  }
0x17: {  	v61 =	vor.u32 $0xEC00, v0;
	v62 =	vor.u32 $0xF000, v0;
	v63 =	vor.u32 $0xF400, v0;
	s3 =	sadd.s32 $0xA00, s3;
	s5 =	smax.u32 s5, $0x1;
	_ =	strace $0x80000047  }
.LBB2_1:
0x18: {  	[tilespmem:s2], [sflag:$0x1] =	stream.linear.gather [hbm4b:s3+s2], $0x400, $0x38;
	[tilespmem:$0x10400] =	vst v63  }
0x19: {  	_ =	swait.ge [sflag:s6], $0x400  }
0x1a: {  	[sflag:s6] =	ssyncset.done $0x0  }
0x1b: {  	s9 =	simm.s32 $0x0;
	s10 =	simm.s32 $0x400;
	[sflag:s6] =	ssyncadd.s32 $0xFFFFFC00  }
.LBB2_2:
0x1c: {  	p0 =	sne.s32 s10, $0x3FC00;
	[tilespmem:s9+$0x4F0] =	vst v1  }
0x1d: {  	[tilespmem:s9+$0x400] =	vst v1  }
0x1e: {  	[tilespmem:s9+$0x410] =	vst v1  }
0x1f: {  	[tilespmem:s9+$0x420] =	vst v1  }
0x20: {  	[tilespmem:s9+$0x430] =	vst v1  }
0x21: {  	[tilespmem:s9+$0x440] =	vst v1  }
0x22: {  	[tilespmem:s9+$0x450] =	vst v1  }
0x23: {  	[tilespmem:s9+$0x460] =	vst v1  }
0x24: {  	[tilespmem:s9+$0x470] =	vst v1  }
0x25: {  	[tilespmem:s9+$0x480] =	vst v1  }
0x26: {  	[tilespmem:s9+$0x490] =	vst v1  }
.Ltmp0:
0x27: {  	[tilespmem:s9+$0x4A0] =	vst v1;
	(pc) =	sbr.rel @p0 .LBB2_2-.Ltmp0, $4  }
0x28: {  	[tilespmem:s9+$0x4B0] =	vst v1  }
0x29: {  	[tilespmem:s9+$0x4C0] =	vst v1  }
0x2a: {  	[tilespmem:s9+$0x4D0] =	vst v1  }
0x2b: {  	[tilespmem:s9+$0x4E0] =	vst v1;
	s9 =	sshra.s32 s10, $0x2;
	s10 =	sadd.s32 $0x400, s10  }
0x2c: {  	[tilespmem:s9+$0x4F0] =	vst v1  }
0x2d: {  	[tilespmem:s9+$0x400] =	vst v1  }
0x2e: {  	[tilespmem:s9+$0x410] =	vst v1  }
0x2f: {  	[tilespmem:s9+$0x420] =	vst v1  }
0x30: {  	[tilespmem:s9+$0x430] =	vst v1  }
0x31: {  	[tilespmem:s9+$0x440] =	vst v1  }
0x32: {  	[tilespmem:s9+$0x450] =	vst v1  }
0x33: {  	[tilespmem:s9+$0x460] =	vst v1  }
0x34: {  	[tilespmem:s9+$0x470] =	vst v1  }
0x35: {  	[tilespmem:s9+$0x480] =	vst v1  }
0x36: {  	[tilespmem:s9+$0x490] =	vst v1  }
0x37: {  	[tilespmem:s9+$0x4A0] =	vst v1  }
0x38: {  	[tilespmem:s9+$0x4B0] =	vst v1  }
0x39: {  	[tilespmem:s9+$0x4C0] =	vst v1  }
0x3a: {  	[tilespmem:s9+$0x4D0] =	vst v1  }
0x3b: {  	[tilespmem:s9+$0x4E0] =	vst v1  }
0x3c: {  	v3 =	vld [tilespmem:$0x0];
	_ =	sdelay $0x4  }
0x3d: {  	v4 =	vshrl.u32 v3, $0x6  }
0x3e: {  	v3 =	vand.u32 $0x3F, v3;
	v4 =	vadd.s32 v0, v4  }
0x3f: {  	v3 =	vor.u32 v0, v3;
	_ =	sdelay $0x3  }
0x40: {  	[tilespmem:v4+s7+$0x0] =	vst.idx.msk $0xffff, v2  }
0x41: {  	[tilespmem:v3+s7+$0x0] =	vst.idx.msk $0xffff, v2  }
0x42: {  	v3 =	vld [tilespmem:$0x10]  }
0x43: {  	v5 =	vld [tilespmem:$0x1FFD0];
	_ =	sdelay $0x3  }
0x44: {  	v4 =	vshrl.u32 v3, $0x6  }
0x45: {  	v3 =	vand.u32 $0x3F, v3;
	v4 =	vadd.s32 v5, v4  }
0x46: {  	v3 =	vor.u32 v5, v3;
	_ =	sdelay $0x3  }
0x47: {  	[tilespmem:v4+s7+$0x0] =	vst.idx.msk $0xffff, v2  }
0x48: {  	[tilespmem:v3+s7+$0x0] =	vst.idx.msk $0xffff, v2  }
0x49: {  	v3 =	vld [tilespmem:$0x20]  }
0x4a: {  	v5 =	vld [tilespmem:$0x1FFE0];
	_ =	sdelay $0x3  }
0x4b: {  	v4 =	vshrl.u32 v3, $0x6  }
0x4c: {  	v3 =	vand.u32 $0x3F, v3;
	v4 =	vadd.s32 v5, v4  }
0x4d: {  	v3 =	vor.u32 v5, v3;
	_ =	sdelay $0x3  }
0x4e: {  	[tilespmem:v4+s7+$0x0] =	vst.idx.msk $0xffff, v2  }
0x4f: {  	[tilespmem:v3+s7+$0x0] =	vst.idx.msk $0xffff, v2  }
0x50: {  	v3 =	vld [tilespmem:$0x30]  }
0x51: {  	v5 =	vld [tilespmem:$0x1FFF0];
	_ =	sdelay $0x3  }
0x52: {  	v4 =	vshrl.u32 v3, $0x6  }
0x53: {  	v3 =	vand.u32 $0x3F, v3;
	v4 =	vadd.s32 v5, v4  }
0x54: {  	v3 =	vor.u32 v5, v3;
	_ =	sdelay $0x3  }
0x55: {  	[tilespmem:v4+s7+$0x0] =	vst.idx.msk $0xffff, v2  }
0x56: {  	[tilespmem:v3+s7+$0x0] =	vst.idx.msk $0xffff, v2  }
0x57: {  	v3 =	vld [tilespmem:$0x40];
	_ =	sdelay $0x4  }
0x58: {  	v4 =	vshrl.u32 v3, $0x6  }
0x59: {  	v3 =	vand.u32 $0x3F, v3;
	v4 =	vadd.s32 v6, v4  }
0x5a: {  	v3 =	vor.u32 v6, v3;
	_ =	sdelay $0x3  }
0x5b: {  	[tilespmem:v4+s7+$0x0] =	vst.idx.msk $0xffff, v2  }
0x5c: {  	[tilespmem:v3+s7+$0x0] =	vst.idx.msk $0xffff, v2  }
0x5d: {  	v3 =	vld [tilespmem:$0x50];
	_ =	sdelay $0x4  }
0x5e: {  	v4 =	vshrl.u32 v3, $0x6  }
0x5f: {  	v3 =	vand.u32 $0x3F, v3;
	v4 =	vadd.s32 v7, v4  }
0x60: {  	v3 =	vor.u32 v7, v3;
	_ =	sdelay $0x3  }
0x61: {  	[tilespmem:v4+s7+$0x0] =	vst.idx.msk $0xffff, v2  }
0x62: {  	[tilespmem:v3+s7+$0x0] =	vst.idx.msk $0xffff, v2  }
0x63: {  	v3 =	vld [tilespmem:$0x60];
	_ =	sdelay $0x4  }
0x64: {  	v4 =	vshrl.u32 v3, $0x6  }
0x65: {  	v3 =	vand.u32 $0x3F, v3;
	v4 =	vadd.s32 v8, v4  }
0x66: {  	v3 =	vor.u32 v8, v3;
	_ =	sdelay $0x3  }
0x67: {  	[tilespmem:v4+s7+$0x0] =	vst.idx.msk $0xffff, v2  }
0x68: {  	[tilespmem:v3+s7+$0x0] =	vst.idx.msk $0xffff, v2  }
0x69: {  	v3 =	vld [tilespmem:$0x70];
	_ =	sdelay $0x4  }
0x6a: {  	v4 =	vshrl.u32 v3, $0x6  }
0x6b: {  	v3 =	vand.u32 $0x3F, v3;
	v4 =	vadd.s32 v9, v4  }
0x6c: {  	v3 =	vor.u32 v9, v3;
	_ =	sdelay $0x3  }
0x6d: {  	[tilespmem:v4+s7+$0x0] =	vst.idx.msk $0xffff, v2  }
0x6e: {  	[tilespmem:v3+s7+$0x0] =	vst.idx.msk $0xffff, v2  }
0x6f: {  	v3 =	vld [tilespmem:$0x80];
	_ =	sdelay $0x4  }
0x70: {  	v4 =	vshrl.u32 v3, $0x6  }
0x71: {  	v3 =	vand.u32 $0x3F, v3;
	v4 =	vadd.s32 v10, v4  }
0x72: {  	v3 =	vor.u32 v10, v3;
	_ =	sdelay $0x3  }
0x73: {  	[tilespmem:v4+s7+$0x0] =	vst.idx.msk $0xffff, v2  }
0x74: {  	[tilespmem:v3+s7+$0x0] =	vst.idx.msk $0xffff, v2  }
0x75: {  	v3 =	vld [tilespmem:$0x90];
	_ =	sdelay $0x4  }
0x76: {  	v4 =	vshrl.u32 v3, $0x6  }
0x77: {  	v3 =	vand.u32 $0x3F, v3;
	v4 =	vadd.s32 v11, v4  }
0x78: {  	v3 =	vor.u32 v11, v3;
	_ =	sdelay $0x3  }
0x79: {  	[tilespmem:v4+s7+$0x0] =	vst.idx.msk $0xffff, v2  }
0x7a: {  	[tilespmem:v3+s7+$0x0] =	vst.idx.msk $0xffff, v2  }
0x7b: {  	v3 =	vld [tilespmem:$0xA0];
	_ =	sdelay $0x4  }
0x7c: {  	v4 =	vshrl.u32 v3, $0x6  }
0x7d: {  	v3 =	vand.u32 $0x3F, v3;
	v4 =	vadd.s32 v12, v4  }
0x7e: {  	v3 =	vor.u32 v12, v3;
	_ =	sdelay $0x3  }
0x7f: {  	[tilespmem:v4+s7+$0x0] =	vst.idx.msk $0xffff, v2  }
0x80: {  	[tilespmem:v3+s7+$0x0] =	vst.idx.msk $0xffff, v2  }
0x81: {  	v3 =	vld [tilespmem:$0xB0];
	_ =	sdelay $0x4  }
0x82: {  	v4 =	vshrl.u32 v3, $0x6  }
0x83: {  	v3 =	vand.u32 $0x3F, v3;
	v4 =	vadd.s32 v13, v4  }
0x84: {  	v3 =	vor.u32 v13, v3;
	_ =	sdelay $0x3  }
0x85: {  	[tilespmem:v4+s7+$0x0] =	vst.idx.msk $0xffff, v2  }
0x86: {  	[tilespmem:v3+s7+$0x0] =	vst.idx.msk $0xffff, v2  }
0x87: {  	v3 =	vld [tilespmem:$0xC0];
	_ =	sdelay $0x4  }
0x88: {  	v4 =	vshrl.u32 v3, $0x6  }
0x89: {  	v3 =	vand.u32 $0x3F, v3;
	v4 =	vadd.s32 v14, v4  }
0x8a: {  	v3 =	vor.u32 v14, v3;
	_ =	sdelay $0x3  }
0x8b: {  	[tilespmem:v4+s7+$0x0] =	vst.idx.msk $0xffff, v2  }
0x8c: {  	[tilespmem:v3+s7+$0x0] =	vst.idx.msk $0xffff, v2  }
0x8d: {  	v3 =	vld [tilespmem:$0xD0];
	_ =	sdelay $0x4  }
0x8e: {  	v4 =	vshrl.u32 v3, $0x6  }
0x8f: {  	v3 =	vand.u32 $0x3F, v3;
	v4 =	vadd.s32 v15, v4  }
0x90: {  	v3 =	vor.u32 v15, v3;
	_ =	sdelay $0x3  }
0x91: {  	[tilespmem:v4+s7+$0x0] =	vst.idx.msk $0xffff, v2  }
0x92: {  	[tilespmem:v3+s7+$0x0] =	vst.idx.msk $0xffff, v2  }
0x93: {  	v3 =	vld [tilespmem:$0xE0];
	_ =	sdelay $0x4  }
0x94: {  	v4 =	vshrl.u32 v3, $0x6  }
0x95: {  	v3 =	vand.u32 $0x3F, v3;
	v4 =	vadd.s32 v16, v4  }
0x96: {  	v3 =	vor.u32 v16, v3;
	_ =	sdelay $0x3  }
0x97: {  	[tilespmem:v4+s7+$0x0] =	vst.idx.msk $0xffff, v2  }
0x98: {  	[tilespmem:v3+s7+$0x0] =	vst.idx.msk $0xffff, v2  }
0x99: {  	v3 =	vld [tilespmem:$0xF0];
	_ =	sdelay $0x4  }
0x9a: {  	v4 =	vshrl.u32 v3, $0x6  }
0x9b: {  	v3 =	vand.u32 $0x3F, v3;
	v4 =	vadd.s32 v17, v4  }
0x9c: {  	v3 =	vor.u32 v17, v3;
	_ =	sdelay $0x3  }
0x9d: {  	[tilespmem:v4+s7+$0x0] =	vst.idx.msk $0xffff, v2  }
0x9e: {  	[tilespmem:v3+s7+$0x0] =	vst.idx.msk $0xffff, v2  }
0x9f: {  	v3 =	vld [tilespmem:$0x100];
	_ =	sdelay $0x4  }
0xa0: {  	v4 =	vshrl.u32 v3, $0x6  }
0xa1: {  	v3 =	vand.u32 $0x3F, v3;
	v4 =	vadd.s32 v18, v4  }
0xa2: {  	v3 =	vor.u32 v18, v3;
	_ =	sdelay $0x3  }
0xa3: {  	[tilespmem:v4+s7+$0x0] =	vst.idx.msk $0xffff, v2  }
0xa4: {  	[tilespmem:v3+s7+$0x0] =	vst.idx.msk $0xffff, v2  }
0xa5: {  	v3 =	vld [tilespmem:$0x110];
	_ =	sdelay $0x4  }
0xa6: {  	v4 =	vshrl.u32 v3, $0x6  }
0xa7: {  	v3 =	vand.u32 $0x3F, v3;
	v4 =	vadd.s32 v19, v4  }
0xa8: {  	v3 =	vor.u32 v19, v3;
	_ =	sdelay $0x3  }
0xa9: {  	[tilespmem:v4+s7+$0x0] =	vst.idx.msk $0xffff, v2  }
0xaa: {  	[tilespmem:v3+s7+$0x0] =	vst.idx.msk $0xffff, v2  }
0xab: {  	v3 =	vld [tilespmem:$0x120];
	_ =	sdelay $0x4  }
0xac: {  	v4 =	vshrl.u32 v3, $0x6  }
0xad: {  	v3 =	vand.u32 $0x3F, v3;
	v4 =	vadd.s32 v20, v4  }
0xae: {  	v3 =	vor.u32 v20, v3;
	_ =	sdelay $0x3  }
0xaf: {  	[tilespmem:v4+s7+$0x0] =	vst.idx.msk $0xffff, v2  }
0xb0: {  	[tilespmem:v3+s7+$0x0] =	vst.idx.msk $0xffff, v2  }
0xb1: {  	v3 =	vld [tilespmem:$0x130];
	_ =	sdelay $0x4  }
0xb2: {  	v4 =	vshrl.u32 v3, $0x6  }
0xb3: {  	v3 =	vand.u32 $0x3F, v3;
	v4 =	vadd.s32 v21, v4  }
0xb4: {  	v3 =	vor.u32 v21, v3;
	_ =	sdelay $0x3  }
0xb5: {  	[tilespmem:v4+s7+$0x0] =	vst.idx.msk $0xffff, v2  }
0xb6: {  	[tilespmem:v3+s7+$0x0] =	vst.idx.msk $0xffff, v2  }
0xb7: {  	v3 =	vld [tilespmem:$0x140];
	_ =	sdelay $0x4  }
0xb8: {  	v4 =	vshrl.u32 v3, $0x6  }
0xb9: {  	v3 =	vand.u32 $0x3F, v3;
	v4 =	vadd.s32 v22, v4  }
0xba: {  	v3 =	vor.u32 v22, v3;
	_ =	sdelay $0x3  }
0xbb: {  	[tilespmem:v4+s7+$0x0] =	vst.idx.msk $0xffff, v2  }
0xbc: {  	[tilespmem:v3+s7+$0x0] =	vst.idx.msk $0xffff, v2  }
0xbd: {  	v3 =	vld [tilespmem:$0x150];
	_ =	sdelay $0x4  }
0xbe: {  	v4 =	vshrl.u32 v3, $0x6  }
0xbf: {  	v3 =	vand.u32 $0x3F, v3;
	v4 =	vadd.s32 v23, v4  }
0xc0: {  	v3 =	vor.u32 v23, v3;
	_ =	sdelay $0x3  }
0xc1: {  	[tilespmem:v4+s7+$0x0] =	vst.idx.msk $0xffff, v2  }
0xc2: {  	[tilespmem:v3+s7+$0x0] =	vst.idx.msk $0xffff, v2  }
0xc3: {  	v3 =	vld [tilespmem:$0x160];
	_ =	sdelay $0x4  }
0xc4: {  	v4 =	vshrl.u32 v3, $0x6  }
0xc5: {  	v3 =	vand.u32 $0x3F, v3;
	v4 =	vadd.s32 v24, v4  }
0xc6: {  	v3 =	vor.u32 v24, v3;
	_ =	sdelay $0x3  }
0xc7: {  	[tilespmem:v4+s7+$0x0] =	vst.idx.msk $0xffff, v2  }
0xc8: {  	[tilespmem:v3+s7+$0x0] =	vst.idx.msk $0xffff, v2  }
0xc9: {  	v3 =	vld [tilespmem:$0x170];
	_ =	sdelay $0x4  }
0xca: {  	v4 =	vshrl.u32 v3, $0x6  }
0xcb: {  	v3 =	vand.u32 $0x3F, v3;
	v4 =	vadd.s32 v25, v4  }
0xcc: {  	v3 =	vor.u32 v25, v3;
	_ =	sdelay $0x3  }
0xcd: {  	[tilespmem:v4+s7+$0x0] =	vst.idx.msk $0xffff, v2  }
0xce: {  	[tilespmem:v3+s7+$0x0] =	vst.idx.msk $0xffff, v2  }
0xcf: {  	v3 =	vld [tilespmem:$0x180];
	_ =	sdelay $0x4  }
0xd0: {  	v4 =	vshrl.u32 v3, $0x6  }
0xd1: {  	v3 =	vand.u32 $0x3F, v3;
	v4 =	vadd.s32 v26, v4  }
0xd2: {  	v3 =	vor.u32 v26, v3;
	_ =	sdelay $0x3  }
0xd3: {  	[tilespmem:v4+s7+$0x0] =	vst.idx.msk $0xffff, v2  }
0xd4: {  	[tilespmem:v3+s7+$0x0] =	vst.idx.msk $0xffff, v2  }
0xd5: {  	v3 =	vld [tilespmem:$0x190];
	_ =	sdelay $0x4  }
0xd6: {  	v4 =	vshrl.u32 v3, $0x6  }
0xd7: {  	v3 =	vand.u32 $0x3F, v3;
	v4 =	vadd.s32 v27, v4  }
0xd8: {  	v3 =	vor.u32 v27, v3;
	_ =	sdelay $0x3  }
0xd9: {  	[tilespmem:v4+s7+$0x0] =	vst.idx.msk $0xffff, v2  }
0xda: {  	[tilespmem:v3+s7+$0x0] =	vst.idx.msk $0xffff, v2  }
0xdb: {  	v3 =	vld [tilespmem:$0x1A0];
	_ =	sdelay $0x4  }
0xdc: {  	v4 =	vshrl.u32 v3, $0x6  }
0xdd: {  	v3 =	vand.u32 $0x3F, v3;
	v4 =	vadd.s32 v28, v4  }
0xde: {  	v3 =	vor.u32 v28, v3;
	_ =	sdelay $0x3  }
0xdf: {  	[tilespmem:v4+s7+$0x0] =	vst.idx.msk $0xffff, v2  }
0xe0: {  	[tilespmem:v3+s7+$0x0] =	vst.idx.msk $0xffff, v2  }
0xe1: {  	v3 =	vld [tilespmem:$0x1B0];
	_ =	sdelay $0x4  }
0xe2: {  	v4 =	vshrl.u32 v3, $0x6  }
0xe3: {  	v3 =	vand.u32 $0x3F, v3;
	v4 =	vadd.s32 v29, v4  }
0xe4: {  	v3 =	vor.u32 v29, v3;
	_ =	sdelay $0x3  }
0xe5: {  	[tilespmem:v4+s7+$0x0] =	vst.idx.msk $0xffff, v2  }
0xe6: {  	[tilespmem:v3+s7+$0x0] =	vst.idx.msk $0xffff, v2  }
0xe7: {  	v3 =	vld [tilespmem:$0x1C0];
	_ =	sdelay $0x4  }
0xe8: {  	v4 =	vshrl.u32 v3, $0x6  }
0xe9: {  	v3 =	vand.u32 $0x3F, v3;
	v4 =	vadd.s32 v30, v4  }
0xea: {  	v3 =	vor.u32 v30, v3;
	_ =	sdelay $0x3  }
0xeb: {  	[tilespmem:v4+s7+$0x0] =	vst.idx.msk $0xffff, v2  }
0xec: {  	[tilespmem:v3+s7+$0x0] =	vst.idx.msk $0xffff, v2  }
0xed: {  	v3 =	vld [tilespmem:$0x1D0];
	_ =	sdelay $0x4  }
0xee: {  	v4 =	vshrl.u32 v3, $0x6  }
0xef: {  	v3 =	vand.u32 $0x3F, v3;
	v4 =	vadd.s32 v31, v4  }
0xf0: {  	v3 =	vor.u32 v31, v3;
	_ =	sdelay $0x3  }
0xf1: {  	[tilespmem:v4+s7+$0x0] =	vst.idx.msk $0xffff, v2  }
0xf2: {  	[tilespmem:v3+s7+$0x0] =	vst.idx.msk $0xffff, v2  }
0xf3: {  	v3 =	vld [tilespmem:$0x1E0];
	_ =	sdelay $0x4  }
0xf4: {  	v4 =	vshrl.u32 v3, $0x6  }
0xf5: {  	v3 =	vand.u32 $0x3F, v3;
	v4 =	vadd.s32 v32, v4  }
0xf6: {  	v3 =	vor.u32 v32, v3;
	_ =	sdelay $0x3  }
0xf7: {  	[tilespmem:v4+s7+$0x0] =	vst.idx.msk $0xffff, v2  }
0xf8: {  	[tilespmem:v3+s7+$0x0] =	vst.idx.msk $0xffff, v2  }
0xf9: {  	v3 =	vld [tilespmem:$0x1F0];
	_ =	sdelay $0x4  }
0xfa: {  	v4 =	vshrl.u32 v3, $0x6  }
0xfb: {  	v3 =	vand.u32 $0x3F, v3;
	v4 =	vadd.s32 v33, v4  }
0xfc: {  	v3 =	vor.u32 v33, v3;
	_ =	sdelay $0x3  }
0xfd: {  	[tilespmem:v4+s7+$0x0] =	vst.idx.msk $0xffff, v2  }
0xfe: {  	[tilespmem:v3+s7+$0x0] =	vst.idx.msk $0xffff, v2  }
0xff: {  	v3 =	vld [tilespmem:$0x200];
	_ =	sdelay $0x4  }
0x100: {  	v4 =	vshrl.u32 v3, $0x6  }
0x101: {  	v3 =	vand.u32 $0x3F, v3;
	v4 =	vadd.s32 v34, v4  }
0x102: {  	v3 =	vor.u32 v34, v3;
	_ =	sdelay $0x3  }
0x103: {  	[tilespmem:v4+s7+$0x0] =	vst.idx.msk $0xffff, v2  }
0x104: {  	[tilespmem:v3+s7+$0x0] =	vst.idx.msk $0xffff, v2  }
0x105: {  	v3 =	vld [tilespmem:$0x210];
	_ =	sdelay $0x4  }
0x106: {  	v4 =	vshrl.u32 v3, $0x6  }
0x107: {  	v3 =	vand.u32 $0x3F, v3;
	v4 =	vadd.s32 v35, v4  }
0x108: {  	v3 =	vor.u32 v35, v3;
	_ =	sdelay $0x3  }
0x109: {  	[tilespmem:v4+s7+$0x0] =	vst.idx.msk $0xffff, v2  }
0x10a: {  	[tilespmem:v3+s7+$0x0] =	vst.idx.msk $0xffff, v2  }
0x10b: {  	v3 =	vld [tilespmem:$0x220];
	_ =	sdelay $0x4  }
0x10c: {  	v4 =	vshrl.u32 v3, $0x6  }
0x10d: {  	v3 =	vand.u32 $0x3F, v3;
	v4 =	vadd.s32 v36, v4  }
0x10e: {  	v3 =	vor.u32 v36, v3;
	_ =	sdelay $0x3  }
0x10f: {  	[tilespmem:v4+s7+$0x0] =	vst.idx.msk $0xffff, v2  }
0x110: {  	[tilespmem:v3+s7+$0x0] =	vst.idx.msk $0xffff, v2  }
0x111: {  	v3 =	vld [tilespmem:$0x230];
	_ =	sdelay $0x4  }
0x112: {  	v4 =	vshrl.u32 v3, $0x6  }
0x113: {  	v3 =	vand.u32 $0x3F, v3;
	v4 =	vadd.s32 v37, v4  }
0x114: {  	v3 =	vor.u32 v37, v3;
	_ =	sdelay $0x3  }
0x115: {  	[tilespmem:v4+s7+$0x0] =	vst.idx.msk $0xffff, v2  }
0x116: {  	[tilespmem:v3+s7+$0x0] =	vst.idx.msk $0xffff, v2  }
0x117: {  	v3 =	vld [tilespmem:$0x240];
	_ =	sdelay $0x4  }
0x118: {  	v4 =	vshrl.u32 v3, $0x6  }
0x119: {  	v3 =	vand.u32 $0x3F, v3;
	v4 =	vadd.s32 v38, v4  }
0x11a: {  	v3 =	vor.u32 v38, v3;
	_ =	sdelay $0x3  }
0x11b: {  	[tilespmem:v4+s7+$0x0] =	vst.idx.msk $0xffff, v2  }
0x11c: {  	[tilespmem:v3+s7+$0x0] =	vst.idx.msk $0xffff, v2  }
0x11d: {  	v3 =	vld [tilespmem:$0x250];
	_ =	sdelay $0x4  }
0x11e: {  	v4 =	vshrl.u32 v3, $0x6  }
0x11f: {  	v3 =	vand.u32 $0x3F, v3;
	v4 =	vadd.s32 v39, v4  }
0x120: {  	v3 =	vor.u32 v39, v3;
	_ =	sdelay $0x3  }
0x121: {  	[tilespmem:v4+s7+$0x0] =	vst.idx.msk $0xffff, v2  }
0x122: {  	[tilespmem:v3+s7+$0x0] =	vst.idx.msk $0xffff, v2  }
0x123: {  	v3 =	vld [tilespmem:$0x260];
	_ =	sdelay $0x4  }
0x124: {  	v4 =	vshrl.u32 v3, $0x6  }
0x125: {  	v3 =	vand.u32 $0x3F, v3;
	v4 =	vadd.s32 v40, v4  }
0x126: {  	v3 =	vor.u32 v40, v3;
	_ =	sdelay $0x3  }
0x127: {  	[tilespmem:v4+s7+$0x0] =	vst.idx.msk $0xffff, v2  }
0x128: {  	[tilespmem:v3+s7+$0x0] =	vst.idx.msk $0xffff, v2  }
0x129: {  	v3 =	vld [tilespmem:$0x270];
	_ =	sdelay $0x4  }
0x12a: {  	v4 =	vshrl.u32 v3, $0x6  }
0x12b: {  	v3 =	vand.u32 $0x3F, v3;
	v4 =	vadd.s32 v41, v4  }
0x12c: {  	v3 =	vor.u32 v41, v3;
	_ =	sdelay $0x3  }
0x12d: {  	[tilespmem:v4+s7+$0x0] =	vst.idx.msk $0xffff, v2  }
0x12e: {  	[tilespmem:v3+s7+$0x0] =	vst.idx.msk $0xffff, v2  }
0x12f: {  	v3 =	vld [tilespmem:$0x280];
	_ =	sdelay $0x4  }
0x130: {  	v4 =	vshrl.u32 v3, $0x6  }
0x131: {  	v3 =	vand.u32 $0x3F, v3;
	v4 =	vadd.s32 v42, v4  }
0x132: {  	v3 =	vor.u32 v42, v3;
	_ =	sdelay $0x3  }
0x133: {  	[tilespmem:v4+s7+$0x0] =	vst.idx.msk $0xffff, v2  }
0x134: {  	[tilespmem:v3+s7+$0x0] =	vst.idx.msk $0xffff, v2  }
0x135: {  	v3 =	vld [tilespmem:$0x290];
	_ =	sdelay $0x4  }
0x136: {  	v4 =	vshrl.u32 v3, $0x6  }
0x137: {  	v3 =	vand.u32 $0x3F, v3;
	v4 =	vadd.s32 v43, v4  }
0x138: {  	v3 =	vor.u32 v43, v3;
	_ =	sdelay $0x3  }
0x139: {  	[tilespmem:v4+s7+$0x0] =	vst.idx.msk $0xffff, v2  }
0x13a: {  	[tilespmem:v3+s7+$0x0] =	vst.idx.msk $0xffff, v2  }
0x13b: {  	v3 =	vld [tilespmem:$0x2A0];
	_ =	sdelay $0x4  }
0x13c: {  	v4 =	vshrl.u32 v3, $0x6  }
0x13d: {  	v3 =	vand.u32 $0x3F, v3;
	v4 =	vadd.s32 v44, v4  }
0x13e: {  	v3 =	vor.u32 v44, v3;
	_ =	sdelay $0x3  }
0x13f: {  	[tilespmem:v4+s7+$0x0] =	vst.idx.msk $0xffff, v2  }
0x140: {  	[tilespmem:v3+s7+$0x0] =	vst.idx.msk $0xffff, v2  }
0x141: {  	v3 =	vld [tilespmem:$0x2B0];
	_ =	sdelay $0x4  }
0x142: {  	v4 =	vshrl.u32 v3, $0x6  }
0x143: {  	v3 =	vand.u32 $0x3F, v3;
	v4 =	vadd.s32 v45, v4  }
0x144: {  	v3 =	vor.u32 v45, v3;
	_ =	sdelay $0x3  }
0x145: {  	[tilespmem:v4+s7+$0x0] =	vst.idx.msk $0xffff, v2  }
0x146: {  	[tilespmem:v3+s7+$0x0] =	vst.idx.msk $0xffff, v2  }
0x147: {  	v3 =	vld [tilespmem:$0x2C0];
	_ =	sdelay $0x4  }
0x148: {  	v4 =	vshrl.u32 v3, $0x6  }
0x149: {  	v3 =	vand.u32 $0x3F, v3;
	v4 =	vadd.s32 v46, v4  }
0x14a: {  	v3 =	vor.u32 v46, v3;
	_ =	sdelay $0x3  }
0x14b: {  	[tilespmem:v4+s7+$0x0] =	vst.idx.msk $0xffff, v2  }
0x14c: {  	[tilespmem:v3+s7+$0x0] =	vst.idx.msk $0xffff, v2  }
0x14d: {  	v3 =	vld [tilespmem:$0x2D0];
	_ =	sdelay $0x4  }
0x14e: {  	v4 =	vshrl.u32 v3, $0x6  }
0x14f: {  	v3 =	vand.u32 $0x3F, v3;
	v4 =	vadd.s32 v47, v4  }
0x150: {  	v3 =	vor.u32 v47, v3;
	_ =	sdelay $0x3  }
0x151: {  	[tilespmem:v4+s7+$0x0] =	vst.idx.msk $0xffff, v2  }
0x152: {  	[tilespmem:v3+s7+$0x0] =	vst.idx.msk $0xffff, v2  }
0x153: {  	v3 =	vld [tilespmem:$0x2E0];
	_ =	sdelay $0x4  }
0x154: {  	v4 =	vshrl.u32 v3, $0x6  }
0x155: {  	v3 =	vand.u32 $0x3F, v3;
	v4 =	vadd.s32 v48, v4  }
0x156: {  	v3 =	vor.u32 v48, v3;
	_ =	sdelay $0x3  }
0x157: {  	[tilespmem:v4+s7+$0x0] =	vst.idx.msk $0xffff, v2  }
0x158: {  	[tilespmem:v3+s7+$0x0] =	vst.idx.msk $0xffff, v2  }
0x159: {  	v3 =	vld [tilespmem:$0x2F0];
	_ =	sdelay $0x4  }
0x15a: {  	v4 =	vshrl.u32 v3, $0x6  }
0x15b: {  	v3 =	vand.u32 $0x3F, v3;
	v4 =	vadd.s32 v49, v4  }
0x15c: {  	v3 =	vor.u32 v49, v3;
	_ =	sdelay $0x3  }
0x15d: {  	[tilespmem:v4+s7+$0x0] =	vst.idx.msk $0xffff, v2  }
0x15e: {  	[tilespmem:v3+s7+$0x0] =	vst.idx.msk $0xffff, v2  }
0x15f: {  	v3 =	vld [tilespmem:$0x300];
	_ =	sdelay $0x4  }
0x160: {  	v4 =	vshrl.u32 v3, $0x6  }
0x161: {  	v3 =	vand.u32 $0x3F, v3;
	v4 =	vadd.s32 v50, v4  }
0x162: {  	v3 =	vor.u32 v50, v3;
	_ =	sdelay $0x3  }
0x163: {  	[tilespmem:v4+s7+$0x0] =	vst.idx.msk $0xffff, v2  }
0x164: {  	[tilespmem:v3+s7+$0x0] =	vst.idx.msk $0xffff, v2  }
0x165: {  	v3 =	vld [tilespmem:$0x310];
	_ =	sdelay $0x4  }
0x166: {  	v4 =	vshrl.u32 v3, $0x6  }
0x167: {  	v3 =	vand.u32 $0x3F, v3;
	v4 =	vadd.s32 v51, v4  }
0x168: {  	v3 =	vor.u32 v51, v3;
	_ =	sdelay $0x3  }
0x169: {  	[tilespmem:v4+s7+$0x0] =	vst.idx.msk $0xffff, v2  }
0x16a: {  	[tilespmem:v3+s7+$0x0] =	vst.idx.msk $0xffff, v2  }
0x16b: {  	v3 =	vld [tilespmem:$0x320];
	_ =	sdelay $0x4  }
0x16c: {  	v4 =	vshrl.u32 v3, $0x6  }
0x16d: {  	v3 =	vand.u32 $0x3F, v3;
	v4 =	vadd.s32 v52, v4  }
0x16e: {  	v3 =	vor.u32 v52, v3;
	_ =	sdelay $0x3  }
0x16f: {  	[tilespmem:v4+s7+$0x0] =	vst.idx.msk $0xffff, v2  }
0x170: {  	[tilespmem:v3+s7+$0x0] =	vst.idx.msk $0xffff, v2  }
0x171: {  	v3 =	vld [tilespmem:$0x330];
	_ =	sdelay $0x4  }
0x172: {  	v4 =	vshrl.u32 v3, $0x6  }
0x173: {  	v3 =	vand.u32 $0x3F, v3;
	v4 =	vadd.s32 v53, v4  }
0x174: {  	v3 =	vor.u32 v53, v3;
	_ =	sdelay $0x3  }
0x175: {  	[tilespmem:v4+s7+$0x0] =	vst.idx.msk $0xffff, v2  }
0x176: {  	[tilespmem:v3+s7+$0x0] =	vst.idx.msk $0xffff, v2  }
0x177: {  	v3 =	vld [tilespmem:$0x340];
	_ =	sdelay $0x4  }
0x178: {  	v4 =	vshrl.u32 v3, $0x6  }
0x179: {  	v3 =	vand.u32 $0x3F, v3;
	v4 =	vadd.s32 v54, v4  }
0x17a: {  	v3 =	vor.u32 v54, v3;
	_ =	sdelay $0x3  }
0x17b: {  	[tilespmem:v4+s7+$0x0] =	vst.idx.msk $0xffff, v2  }
0x17c: {  	[tilespmem:v3+s7+$0x0] =	vst.idx.msk $0xffff, v2  }
0x17d: {  	v3 =	vld [tilespmem:$0x350];
	_ =	sdelay $0x4  }
0x17e: {  	v4 =	vshrl.u32 v3, $0x6  }
0x17f: {  	v3 =	vand.u32 $0x3F, v3;
	v4 =	vadd.s32 v55, v4  }
0x180: {  	v3 =	vor.u32 v55, v3;
	_ =	sdelay $0x3  }
0x181: {  	[tilespmem:v4+s7+$0x0] =	vst.idx.msk $0xffff, v2  }
0x182: {  	[tilespmem:v3+s7+$0x0] =	vst.idx.msk $0xffff, v2  }
0x183: {  	v3 =	vld [tilespmem:$0x360];
	_ =	sdelay $0x4  }
0x184: {  	v4 =	vshrl.u32 v3, $0x6  }
0x185: {  	v3 =	vand.u32 $0x3F, v3;
	v4 =	vadd.s32 v56, v4  }
0x186: {  	v3 =	vor.u32 v56, v3;
	_ =	sdelay $0x3  }
0x187: {  	[tilespmem:v4+s7+$0x0] =	vst.idx.msk $0xffff, v2  }
0x188: {  	[tilespmem:v3+s7+$0x0] =	vst.idx.msk $0xffff, v2  }
0x189: {  	v3 =	vld [tilespmem:$0x370];
	_ =	sdelay $0x4  }
0x18a: {  	v4 =	vshrl.u32 v3, $0x6  }
0x18b: {  	v3 =	vand.u32 $0x3F, v3;
	v4 =	vadd.s32 v57, v4  }
0x18c: {  	v3 =	vor.u32 v57, v3;
	_ =	sdelay $0x3  }
0x18d: {  	[tilespmem:v4+s7+$0x0] =	vst.idx.msk $0xffff, v2  }
0x18e: {  	[tilespmem:v3+s7+$0x0] =	vst.idx.msk $0xffff, v2  }
0x18f: {  	v3 =	vld [tilespmem:$0x380];
	_ =	sdelay $0x4  }
0x190: {  	v4 =	vshrl.u32 v3, $0x6  }
0x191: {  	v3 =	vand.u32 $0x3F, v3;
	v4 =	vadd.s32 v58, v4  }
0x192: {  	v3 =	vor.u32 v58, v3;
	_ =	sdelay $0x3  }
0x193: {  	[tilespmem:v4+s7+$0x0] =	vst.idx.msk $0xffff, v2  }
0x194: {  	[tilespmem:v3+s7+$0x0] =	vst.idx.msk $0xffff, v2  }
0x195: {  	v3 =	vld [tilespmem:$0x390];
	_ =	sdelay $0x4  }
0x196: {  	v4 =	vshrl.u32 v3, $0x6  }
0x197: {  	v3 =	vand.u32 $0x3F, v3;
	v4 =	vadd.s32 v59, v4  }
0x198: {  	v3 =	vor.u32 v59, v3;
	_ =	sdelay $0x3  }
0x199: {  	[tilespmem:v4+s7+$0x0] =	vst.idx.msk $0xffff, v2  }
0x19a: {  	[tilespmem:v3+s7+$0x0] =	vst.idx.msk $0xffff, v2  }
0x19b: {  	v3 =	vld [tilespmem:$0x3A0];
	_ =	sdelay $0x4  }
0x19c: {  	v4 =	vshrl.u32 v3, $0x6  }
0x19d: {  	v3 =	vand.u32 $0x3F, v3;
	v4 =	vadd.s32 v60, v4  }
0x19e: {  	v3 =	vor.u32 v60, v3;
	_ =	sdelay $0x3  }
0x19f: {  	[tilespmem:v4+s7+$0x0] =	vst.idx.msk $0xffff, v2  }
0x1a0: {  	[tilespmem:v3+s7+$0x0] =	vst.idx.msk $0xffff, v2  }
0x1a1: {  	v3 =	vld [tilespmem:$0x3B0];
	_ =	sdelay $0x4  }
0x1a2: {  	v4 =	vshrl.u32 v3, $0x6  }
0x1a3: {  	v3 =	vand.u32 $0x3F, v3;
	v4 =	vadd.s32 v61, v4  }
0x1a4: {  	v3 =	vor.u32 v61, v3;
	_ =	sdelay $0x3  }
0x1a5: {  	[tilespmem:v4+s7+$0x0] =	vst.idx.msk $0xffff, v2  }
0x1a6: {  	[tilespmem:v3+s7+$0x0] =	vst.idx.msk $0xffff, v2  }
0x1a7: {  	v3 =	vld [tilespmem:$0x3C0];
	_ =	sdelay $0x4  }
0x1a8: {  	v4 =	vshrl.u32 v3, $0x6  }
0x1a9: {  	v3 =	vand.u32 $0x3F, v3;
	v4 =	vadd.s32 v62, v4  }
0x1aa: {  	v3 =	vor.u32 v62, v3;
	_ =	sdelay $0x3  }
0x1ab: {  	[tilespmem:v4+s7+$0x0] =	vst.idx.msk $0xffff, v2  }
0x1ac: {  	[tilespmem:v3+s7+$0x0] =	vst.idx.msk $0xffff, v2  }
0x1ad: {  	v3 =	vld [tilespmem:$0x3D0];
	_ =	sdelay $0x4  }
0x1ae: {  	v4 =	vshrl.u32 v3, $0x6  }
0x1af: {  	v3 =	vand.u32 $0x3F, v3;
	v4 =	vadd.s32 v63, v4  }
0x1b0: {  	v3 =	vor.u32 v63, v3;
	_ =	sdelay $0x3  }
0x1b1: {  	[tilespmem:v4+s7+$0x0] =	vst.idx.msk $0xffff, v2  }
0x1b2: {  	[tilespmem:v3+s7+$0x0] =	vst.idx.msk $0xffff, v2  }
0x1b3: {  	v3 =	vld [tilespmem:$0x3E0];
	_ =	sdelay $0x4  }
0x1b4: {  	v5 =	vor.u32 $0xF800, v0;
	v4 =	vshrl.u32 v3, $0x6  }
0x1b5: {  	v3 =	vand.u32 $0x3F, v3;
	v4 =	vadd.s32 v5, v4  }
0x1b6: {  	v3 =	vor.u32 v5, v3;
	_ =	sdelay $0x3  }
0x1b7: {  	[tilespmem:v4+s7+$0x0] =	vst.idx.msk $0xffff, v2  }
0x1b8: {  	[tilespmem:v3+s7+$0x0] =	vst.idx.msk $0xffff, v2  }
0x1b9: {  	v3 =	vld [tilespmem:$0x3F0];
	_ =	sdelay $0x4  }
0x1ba: {  	v5 =	vor.u32 $0xFC00, v0;
	v4 =	vshrl.u32 v3, $0x6  }
0x1bb: {  	v3 =	vand.u32 $0x3F, v3;
	v4 =	vadd.s32 v5, v4  }
0x1bc: {  	v3 =	vor.u32 v5, v3;
	_ =	sdelay $0x2  }
0x1bd: {  	s8 =	sadd.s32 $0x1, s8  }
0x1be: {  	p0 =	sne.s32 s8, s5;
	[tilespmem:v4+s7+$0x0] =	vst.idx.msk $0xffff, v2  }
.Ltmp1:
0x1bf: {  	[tilespmem:v3+s7+$0x0] =	vst.idx.msk $0xffff, v2;
	(pc) =	sbr.rel @p0 .LBB2_1-.Ltmp1, $4  }
0x1c0: {  	[hbm4b:s4+s2] =	stream.linear.scatter [tilespmem:s7], [sflag:$0x1], $0x10000, $0x38;
	[tilespmem:$0x10400] =	vst v63  }
0x1c1: {  	_ =	swait.ge [sflag:s6], $0x10000  }
0x1c2: {  	[sflag:s6] =	ssyncset.done $0x0  }
0x1c3: {  	[sflag:s6] =	ssyncadd.s32 $0xFFFF0000  }
0x1c4: {  	_ =	sfence.sel $0x180000  }
0x1c5: {  	[bflag:$0x0] =	sbarrier.arrive $0xFFFF  }
0x1c6: {  	p0 =	sne.s32 s1, $0x0;
	_ =	strace $0x90000047  }
0x1c7: {  	s0 =	sadd.s32 @!p0 $0x100000, s0;
	[bflag:$0x2] =	sbarrier.arrive $0xFFFF  }
0x1c8: {  	[sflag:s0] =	ssyncadd.tile.s32 @!p0 $0x1;
	_ =	shalt  }
.Lfunc_end2:
_tile_overlayer_lowered:
.L_overlay_start_2:
0x1c9: {  	(tag) =	ssettag $0x2  }
0x1ca: {  	s0 =	rddreg [dreg:$0x0];
	s2 =	stileid.u32  }
0x1cb: {  	s1 =	rddreg [dreg:$0x1];
	p0 =	sne.s32 s2, $0x0  }
0x1cc: {  	s3 =	rddreg [dreg:$0x2];
	[bflag:$0x3] =	sbarrier.arrive $0xFFFF;
	s2 =	simm.s32 @!p0 $0x1C01  }
0x1cd: {  	[timem:s3], [sflag:s2] =	dma.local @!p0 [hbm:s0], s1  }
0x1ce: {  	s0 =	simm.s32 @!p0 $0x1  }
0x1cf: {  	_ =	swait.ge @!p0 [sflag:s0], s1  }
0x1d0: {  	s1 =	ssub.s32 @!p0 $0x0, s1;
	[sflag:s0] =	ssyncset.done @!p0 $0x0  }
0x1d1: {  	[sflag:s0] =	ssyncadd.s32 @!p0 s1  }
0x1d2: {  	[bflag:$0x3] =	sbarrier.arrive $0xFFFF  }
0x1d3: {  	_ =	shalt  }

</sc_bundles>
